<compile_context>
chip_gen: v7x
topology: tpu7x:2x2x1
jax: 0.10.2.dev20260603
libtpu: 0.0.44.dev20260713+nightly
codegen_flags: <defaults>
</compile_context>

<pallas_src>
import functools

import jax
import jax.numpy as jnp
from jax import lax
from jax.experimental import pallas as pl
from jax.experimental.pallas import tpu as pltpu
from jax.experimental.pallas import tpu_sc as plsc

VOCAB = 1000000
EMBED = 64
BATCH = 16384
HIST = 50

NC = 2
NS = 16
NW = NC * NS
BPW = BATCH // NW

BBLK = 8
NBLK = BPW // BBLK
NBUF = 2

_mesh = plsc.VectorSubcoreMesh(core_axis_name="c", subcore_axis_name="s")


@functools.partial(
    pl.kernel,
    mesh=_mesh,
    out_type=jax.ShapeDtypeStruct((BATCH, 56, 128), jnp.float32),
    compiler_params=pltpu.CompilerParams(
        use_tc_tiling_on_sc=False, needs_layout_passes=False),
    scratch_types=[
        pltpu.VMEM((NBUF, BBLK, HIST), jnp.int32),
        pltpu.VMEM((NBUF, BBLK, HIST, EMBED), jnp.float32),
        pltpu.SemaphoreType.DMA((NBUF,)),
        pltpu.SemaphoreType.DMA,
        pltpu.SemaphoreType.DMA((NBUF,)),
    ],
)
def _emb_lookup(x_hbm, a_hbm, out_hbm, idx_v, rows_v, isem, gsem, wsem):
    wid = lax.axis_index("s") * NC + lax.axis_index("c")
    row0 = wid * BPW

    def start_idx(i, b):
        pltpu.async_copy(
            x_hbm.at[pl.ds(row0 + i * BBLK, BBLK)], idx_v.at[b], isem.at[b])

    def drain_idx(b):
        pltpu.make_async_copy(
            x_hbm.at[pl.ds(0, BBLK)], idx_v.at[b], isem.at[b]).wait()

    def drain_write(b):
        pltpu.make_async_copy(
            rows_v.at[b],
            out_hbm.at[pl.ds(0, BBLK), pl.ds(0, HIST), pl.ds(0, EMBED)],
            wsem.at[b]).wait()

    for b in range(NBUF):
        start_idx(b, b)

    def step(i0, carry):
        for b in range(NBUF):
            i = i0 + b
            drain_idx(b)
            @pl.when(i >= NBUF)
            def _():
                drain_write(b)
            copies = [
                pltpu.async_copy(
                    a_hbm.at[idx_v.at[b].at[k]], rows_v.at[b].at[k], gsem)
                for k in range(BBLK)
            ]
            for c in copies:
                c.wait()
            @pl.when(i + NBUF < NBLK)
            def _():
                start_idx(i + NBUF, b)
            pltpu.async_copy(
                rows_v.at[b],
                out_hbm.at[pl.ds(row0 + i * BBLK, BBLK), pl.ds(0, HIST),
                           pl.ds(0, EMBED)],
                wsem.at[b])
        return carry

    lax.fori_loop(0, NBLK // NBUF, lambda k, c: step(k * NBUF, c), 0)

    for b in range(NBUF):
        drain_write(b)


def kernel(x, A):
    out = _emb_lookup(x.astype(jnp.int32), A)
    return out[:, :HIST, :EMBED]

# --- scband reference (transcript-rebuilt; emitter-appended) ---
"""Pipeline reference for scband-embedding-52012053955161 (READ-ONLY COPY).

The authoritative reference and input builder live on the scoring server;
editing this copy changes nothing except your own understanding.
"""

import jax, jax.numpy as jnp
import numpy as np

VOCAB = 1000000
EMBED = 64
BATCH = 16384
HIST = 50

def setup_inputs(seed: int = 0) -> dict:
    key = jax.random.key(seed)
    k_idx, k_tab = jax.random.split(key)
    x = jax.random.randint(k_idx, (BATCH, HIST), 0, VOCAB, dtype=jnp.int64)
    A = jax.random.uniform(k_tab, (VOCAB, EMBED), dtype=jnp.float32)
    return {"x": x, "A": A}

def reference(x, A):
    # Embedding lookup: A[x] -> gather rows of the table
    return jnp.take(A, x, axis=0)

if __name__ == "__main__":
    import jax
    _d = setup_inputs()
    print(jax.jit(kernel)(*tuple(_d.values())))

</pallas_src>

<mosaic_0001>
#map = affine_map<(d0, d1) -> (0, 0)>
#map1 = affine_map<(d0, d1) -> (0, 0, 0)>
module attributes {stable_mosaic.version = 14 : i64} {
  func.func @_emb_lookup(%arg0: i32, %arg1: i32, %arg2: memref<16384x50xi32, #tpu.memory_space<hbm>>, %arg3: memref<1000000x64xf32, #tpu.memory_space<hbm>>, %arg4: memref<16384x56x128xf32, #tpu.memory_space<hbm>>, %arg5: memref<2x8x50xi32, #tpu.memory_space<vmem>>, %arg6: memref<2x8x50x64xf32, #tpu.memory_space<vmem>>, %arg7: memref<2x!tpu.dma_semaphore, #tpu.memory_space<semaphore_mem>>, %arg8: memref<!tpu.dma_semaphore, #tpu.memory_space<semaphore_mem>>, %arg9: memref<2x!tpu.dma_semaphore, #tpu.memory_space<semaphore_mem>>) attributes {dimension_semantics = [#tpu.dimension_semantics<core_parallel>, #tpu.dimension_semantics<subcore_parallel>], iteration_bounds = array<i64: 2, 16>, scalar_prefetch = 0 : i64, scratch_operands = 5 : i64, tpu.core_type = #tpu.core_type<sc_vector_subcore>, window_params = [{transform_indices = #map}, {transform_indices = #map}, {transform_indices = #map1}]} {
    %mul3A = arith.constant 2 : i32
    %mul3A_0 = arith.muli %arg1, %mul3A : i32
    %add3A = arith.addi %mul3A_0, %arg0 : i32
    %mul3A_1 = arith.constant 512 : i32
    %mul3A_2 = arith.muli %add3A, %mul3A_1 : i32
    %add3A_3 = arith.constant 0 : i32
    %add3A_4 = arith.addi %mul3A_2, %add3A_3 : i32
    %dma_start3A = arith.constant 0 : i32
    %dma_start3A_5 = arith.constant 0 : i32
    %dma_start3A_6 = arith.constant 0 : i32
    %dma_start3A_7 = arith.constant 0 : i32
    %dma_start3A_8 = tpu.memref_slice %arg5[%dma_start3A, %dma_start3A_6, %dma_start3A_7] : memref<2x8x50xi32, #tpu.memory_space<vmem>> -> memref<1x8x50xi32, #tpu.memory_space<vmem>>
    %dma_start3A_9 = tpu.memref_squeeze %dma_start3A_8 : memref<1x8x50xi32, #tpu.memory_space<vmem>> -> memref<8x50xi32, #tpu.memory_space<vmem>>
    %dma_start3A_10 = arith.constant 0 : i32
    %dma_start3A_11 = tpu.memref_slice %arg2[%add3A_4, %dma_start3A_10] : memref<16384x50xi32, #tpu.memory_space<hbm>> -> memref<8x50xi32, #tpu.memory_space<hbm>>
    %dma_start3A_12 = tpu.memref_slice %arg7[%dma_start3A_5] : memref<2x!tpu.dma_semaphore, #tpu.memory_space<semaphore_mem>> -> memref<1x!tpu.dma_semaphore, #tpu.memory_space<semaphore_mem>>
    %dma_start3A_13 = tpu.memref_squeeze %dma_start3A_12 : memref<1x!tpu.dma_semaphore, #tpu.memory_space<semaphore_mem>> -> memref<!tpu.dma_semaphore, #tpu.memory_space<semaphore_mem>>
    %dma_start3A_14 = arith.constant 0 : i32
    %dma_start3A_15 = arith.constant 0 : i32
    %dma_start3A_16 = tpu.memref_slice %arg5[%dma_start3A, %dma_start3A_14, %dma_start3A_15] : memref<2x8x50xi32, #tpu.memory_space<vmem>> -> memref<1x8x50xi32, #tpu.memory_space<vmem>>
    %dma_start3A_17 = tpu.memref_squeeze %dma_start3A_16 : memref<1x8x50xi32, #tpu.memory_space<vmem>> -> memref<8x50xi32, #tpu.memory_space<vmem>>
    %dma_start3A_18 = arith.constant 0 : i32
    %dma_start3A_19 = tpu.memref_slice %arg2[%add3A_4, %dma_start3A_18] : memref<16384x50xi32, #tpu.memory_space<hbm>> -> memref<8x50xi32, #tpu.memory_space<hbm>>
    tpu.enqueue_dma source(%dma_start3A_19 : memref<8x50xi32, #tpu.memory_space<hbm>>) target(%dma_start3A_17 : memref<8x50xi32, #tpu.memory_space<vmem>>) target_semaphore(%dma_start3A_13 : memref<!tpu.dma_semaphore, #tpu.memory_space<semaphore_mem>>)
    %add3A_20 = arith.constant 8 : i32
    %add3A_21 = arith.addi %mul3A_2, %add3A_20 : i32
    %dma_start3A_22 = arith.constant 1 : i32
    %dma_start3A_23 = arith.constant 1 : i32
    %dma_start3A_24 = arith.constant 0 : i32
    %dma_start3A_25 = arith.constant 0 : i32
    %dma_start3A_26 = tpu.memref_slice %arg5[%dma_start3A_22, %dma_start3A_24, %dma_start3A_25] : memref<2x8x50xi32, #tpu.memory_space<vmem>> -> memref<1x8x50xi32, #tpu.memory_space<vmem>>
    %dma_start3A_27 = tpu.memref_squeeze %dma_start3A_26 : memref<1x8x50xi32, #tpu.memory_space<vmem>> -> memref<8x50xi32, #tpu.memory_space<vmem>>
    %dma_start3A_28 = arith.constant 0 : i32
    %dma_start3A_29 = tpu.memref_slice %arg2[%add3A_21, %dma_start3A_28] : memref<16384x50xi32, #tpu.memory_space<hbm>> -> memref<8x50xi32, #tpu.memory_space<hbm>>
    %dma_start3A_30 = tpu.memref_slice %arg7[%dma_start3A_23] : memref<2x!tpu.dma_semaphore, #tpu.memory_space<semaphore_mem>> -> memref<1x!tpu.dma_semaphore, #tpu.memory_space<semaphore_mem>>
    %dma_start3A_31 = tpu.memref_squeeze %dma_start3A_30 : memref<1x!tpu.dma_semaphore, #tpu.memory_space<semaphore_mem>> -> memref<!tpu.dma_semaphore, #tpu.memory_space<semaphore_mem>>
    %dma_start3A_32 = arith.constant 0 : i32
    %dma_start3A_33 = arith.constant 0 : i32
    %dma_start3A_34 = tpu.memref_slice %arg5[%dma_start3A_22, %dma_start3A_32, %dma_start3A_33] : memref<2x8x50xi32, #tpu.memory_space<vmem>> -> memref<1x8x50xi32, #tpu.memory_space<vmem>>
    %dma_start3A_35 = tpu.memref_squeeze %dma_start3A_34 : memref<1x8x50xi32, #tpu.memory_space<vmem>> -> memref<8x50xi32, #tpu.memory_space<vmem>>
    %dma_start3A_36 = arith.constant 0 : i32
    %dma_start3A_37 = tpu.memref_slice %arg2[%add3A_21, %dma_start3A_36] : memref<16384x50xi32, #tpu.memory_space<hbm>> -> memref<8x50xi32, #tpu.memory_space<hbm>>
    tpu.enqueue_dma source(%dma_start3A_37 : memref<8x50xi32, #tpu.memory_space<hbm>>) target(%dma_start3A_35 : memref<8x50xi32, #tpu.memory_space<vmem>>) target_semaphore(%dma_start3A_31 : memref<!tpu.dma_semaphore, #tpu.memory_space<semaphore_mem>>)
    %scan3A = arith.constant 0 : i32
    %scan3A_38 = arith.constant 0 : i32
    %scan3A_39 = arith.constant 32 : i32
    %scan3A_40 = arith.addi %scan3A_38, %scan3A_39 : i32
    %scan3A_41 = arith.constant 1 : i32
    scf.for %scan3A_86 = %scan3A_38 to %scan3A_40 step %scan3A_41  : i32 {
      %mul3A_87 = arith.constant 2 : i32
      %mul3A_88 = arith.muli %scan3A_86, %mul3A_87 : i32
      %add3A_89 = arith.constant 0 : i32
      %add3A_90 = arith.addi %mul3A_88, %add3A_89 : i32
      %dma_wait3A_91 = arith.constant 0 : i32
      %dma_wait3A_92 = arith.constant 0 : i32
      %dma_wait3A_93 = arith.constant 0 : i32
      %dma_wait3A_94 = arith.constant 0 : i32
      %dma_wait3A_95 = tpu.memref_slice %arg5[%dma_wait3A_91, %dma_wait3A_93, %dma_wait3A_94] : memref<2x8x50xi32, #tpu.memory_space<vmem>> -> memref<1x8x50xi32, #tpu.memory_space<vmem>>
      %dma_wait3A_96 = tpu.memref_squeeze %dma_wait3A_95 : memref<1x8x50xi32, #tpu.memory_space<vmem>> -> memref<8x50xi32, #tpu.memory_space<vmem>>
      %dma_wait3A_97 = arith.constant 0 : i32
      %dma_wait3A_98 = arith.constant 0 : i32
      %dma_wait3A_99 = tpu.memref_slice %arg2[%dma_wait3A_97, %dma_wait3A_98] : memref<16384x50xi32, #tpu.memory_space<hbm>> -> memref<8x50xi32, #tpu.memory_space<hbm>>
      %dma_wait3A_100 = tpu.memref_slice %arg7[%dma_wait3A_92] : memref<2x!tpu.dma_semaphore, #tpu.memory_space<semaphore_mem>> -> memref<1x!tpu.dma_semaphore, #tpu.memory_space<semaphore_mem>>
      %dma_wait3A_101 = tpu.memref_squeeze %dma_wait3A_100 : memref<1x!tpu.dma_semaphore, #tpu.memory_space<semaphore_mem>> -> memref<!tpu.dma_semaphore, #tpu.memory_space<semaphore_mem>>
      %dma_wait3A_102 = arith.constant 0 : i32
      %dma_wait3A_103 = arith.constant 0 : i32
      %dma_wait3A_104 = tpu.memref_slice %arg5[%dma_wait3A_91, %dma_wait3A_102, %dma_wait3A_103] : memref<2x8x50xi32, #tpu.memory_space<vmem>> -> memref<1x8x50xi32, #tpu.memory_space<vmem>>
      %dma_wait3A_105 = tpu.memref_squeeze %dma_wait3A_104 : memref<1x8x50xi32, #tpu.memory_space<vmem>> -> memref<8x50xi32, #tpu.memory_space<vmem>>
      %dma_wait3A_106 = arith.constant 0 : i32
      %dma_wait3A_107 = arith.constant 0 : i32
      %dma_wait3A_108 = tpu.memref_slice %arg2[%dma_wait3A_106, %dma_wait3A_107] : memref<16384x50xi32, #tpu.memory_space<hbm>> -> memref<8x50xi32, #tpu.memory_space<hbm>>
      tpu.wait_dma2 semaphore(%dma_wait3A_101 : memref<!tpu.dma_semaphore, #tpu.memory_space<semaphore_mem>>) src(%dma_wait3A_108 : memref<8x50xi32, #tpu.memory_space<hbm>>) dst(%dma_wait3A_105 : memref<8x50xi32, #tpu.memory_space<vmem>>)
      %ge3A = arith.constant 2 : i32
      %ge3A_109 = arith.cmpi sge, %add3A_90, %ge3A : i32
      %convert_element_type3A = arith.extui %ge3A_109 : i1 to i32
      %cond3A = arith.constant 0 : i32
      %cond3A_110 = arith.cmpi ne, %convert_element_type3A, %cond3A : i32
      scf.if %cond3A_110 {
        %dma_wait3A_931 = arith.constant 0 : i32
        %dma_wait3A_932 = arith.constant 0 : i32
        %dma_wait3A_933 = arith.constant 0 : i32
        %dma_wait3A_934 = arith.constant 0 : i32
        %dma_wait3A_935 = arith.constant 0 : i32
        %dma_wait3A_936 = tpu.memref_slice %arg6[%dma_wait3A_931, %dma_wait3A_933, %dma_wait3A_934, %dma_wait3A_935] : memref<2x8x50x64xf32, #tpu.memory_space<vmem>> -> memref<1x8x50x64xf32, #tpu.memory_space<vmem>>
        %dma_wait3A_937 = tpu.memref_squeeze %dma_wait3A_936 : memref<1x8x50x64xf32, #tpu.memory_space<vmem>> -> memref<8x50x64xf32, #tpu.memory_space<vmem>>
        %dma_wait3A_938 = arith.constant 0 : i32
        %dma_wait3A_939 = arith.constant 0 : i32
        %dma_wait3A_940 = arith.constant 0 : i32
        %dma_wait3A_941 = tpu.memref_slice %arg4[%dma_wait3A_938, %dma_wait3A_939, %dma_wait3A_940] : memref<16384x56x128xf32, #tpu.memory_space<hbm>> -> memref<8x50x64xf32, #tpu.memory_space<hbm>>
        %dma_wait3A_942 = tpu.memref_slice %arg9[%dma_wait3A_932] : memref<2x!tpu.dma_semaphore, #tpu.memory_space<semaphore_mem>> -> memref<1x!tpu.dma_semaphore, #tpu.memory_space<semaphore_mem>>
        %dma_wait3A_943 = tpu.memref_squeeze %dma_wait3A_942 : memref<1x!tpu.dma_semaphore, #tpu.memory_space<semaphore_mem>> -> memref<!tpu.dma_semaphore, #tpu.memory_space<semaphore_mem>>
        %dma_wait3A_944 = arith.constant 0 : i32
        %dma_wait3A_945 = arith.constant 0 : i32
        %dma_wait3A_946 = arith.constant 0 : i32
        %dma_wait3A_947 = tpu.memref_slice %arg4[%dma_wait3A_944, %dma_wait3A_945, %dma_wait3A_946] : memref<16384x56x128xf32, #tpu.memory_space<hbm>> -> memref<8x50x64xf32, #tpu.memory_space<hbm>>
        %dma_wait3A_948 = arith.constant 0 : i32
        %dma_wait3A_949 = arith.constant 0 : i32
        %dma_wait3A_950 = arith.constant 0 : i32
        %dma_wait3A_951 = tpu.memref_slice %arg6[%dma_wait3A_931, %dma_wait3A_948, %dma_wait3A_949, %dma_wait3A_950] : memref<2x8x50x64xf32, #tpu.memory_space<vmem>> -> memref<1x8x50x64xf32, #tpu.memory_space<vmem>>
        %dma_wait3A_952 = tpu.memref_squeeze %dma_wait3A_951 : memref<1x8x50x64xf32, #tpu.memory_space<vmem>> -> memref<8x50x64xf32, #tpu.memory_space<vmem>>
        tpu.wait_dma2 semaphore(%dma_wait3A_943 : memref<!tpu.dma_semaphore, #tpu.memory_space<semaphore_mem>>) src(%dma_wait3A_952 : memref<8x50x64xf32, #tpu.memory_space<vmem>>) dst(%dma_wait3A_947 : memref<8x50x64xf32, #tpu.memory_space<hbm>>)
      } else {
      }
      %dma_start3A_111 = arith.constant 0 : i32
      %dma_start3A_112 = arith.constant 0 : i32
      %dma_start3A_113 = arith.constant 0 : i32
      %dma_start3A_114 = arith.constant 0 : i32
      %dma_start3A_115 = arith.constant 0 : i32
      %dma_start3A_116 = arith.constant 0 : i32
      %dma_start3A_117 = arith.constant 0 : i32
      %dma_start3A_118 = tpu.memref_slice %arg6[%dma_start3A_113, %dma_start3A_115, %dma_start3A_116, %dma_start3A_117] : memref<2x8x50x64xf32, #tpu.memory_space<vmem>> -> memref<1x8x50x64xf32, #tpu.memory_space<vmem>>
      %dma_start3A_119 = tpu.memref_squeeze %dma_start3A_118 : memref<1x8x50x64xf32, #tpu.memory_space<vmem>> -> memref<8x50x64xf32, #tpu.memory_space<vmem>>
      %dma_start3A_120 = arith.constant 0 : i32
      %dma_start3A_121 = arith.constant 0 : i32
      %dma_start3A_122 = tpu.memref_slice %dma_start3A_119[%dma_start3A_114, %dma_start3A_120, %dma_start3A_121] : memref<8x50x64xf32, #tpu.memory_space<vmem>> -> memref<1x50x64xf32, #tpu.memory_space<vmem>>
      %dma_start3A_123 = tpu.memref_squeeze %dma_start3A_122 : memref<1x50x64xf32, #tpu.memory_space<vmem>> -> memref<50x64xf32, #tpu.memory_space<vmem>>
      %dma_start3A_124 = arith.constant 0 : i32
      %dma_start3A_125 = arith.constant 0 : i32
      %dma_start3A_126 = tpu.memref_slice %arg5[%dma_start3A_111, %dma_start3A_124, %dma_start3A_125] : memref<2x8x50xi32, #tpu.memory_space<vmem>> -> memref<1x8x50xi32, #tpu.memory_space<vmem>>
      %dma_start3A_127 = tpu.memref_squeeze %dma_start3A_126 : memref<1x8x50xi32, #tpu.memory_space<vmem>> -> memref<8x50xi32, #tpu.memory_space<vmem>>
      %dma_start3A_128 = arith.constant 0 : i32
      %dma_start3A_129 = tpu.memref_slice %dma_start3A_127[%dma_start3A_112, %dma_start3A_128] : memref<8x50xi32, #tpu.memory_space<vmem>> -> memref<1x50xi32, #tpu.memory_space<vmem>>
      %dma_start3A_130 = tpu.memref_squeeze %dma_start3A_129 : memref<1x50xi32, #tpu.memory_space<vmem>> -> memref<50xi32, #tpu.memory_space<vmem>>
      %dma_start3A_131 = arith.constant 0 : i32
      %dma_start3A_132 = arith.constant 0 : i32
      %dma_start3A_133 = tpu.memref_slice %arg3[%dma_start3A_131, %dma_start3A_132] : memref<1000000x64xf32, #tpu.memory_space<hbm>> -> memref<1000000x64xf32, #tpu.memory_space<hbm>>
      tpu.enqueue_indirect_dma source(%dma_start3A_133 : memref<1000000x64xf32, #tpu.memory_space<hbm>>) target(%dma_start3A_123 : memref<50x64xf32, #tpu.memory_space<vmem>>) offsets(%dma_start3A_130 : memref<50xi32, #tpu.memory_space<vmem>>) semaphore(%arg8 : memref<!tpu.dma_semaphore, #tpu.memory_space<semaphore_mem>>)
      %dma_start3A_134 = arith.constant 0 : i32
      %dma_start3A_135 = arith.constant 1 : i32
      %dma_start3A_136 = arith.constant 0 : i32
      %dma_start3A_137 = arith.constant 1 : i32
      %dma_start3A_138 = arith.constant 0 : i32
      %dma_start3A_139 = arith.constant 0 : i32
      %dma_start3A_140 = arith.constant 0 : i32
      %dma_start3A_141 = tpu.memref_slice %arg6[%dma_start3A_136, %dma_start3A_138, %dma_start3A_139, %dma_start3A_140] : memref<2x8x50x64xf32, #tpu.memory_space<vmem>> -> memref<1x8x50x64xf32, #tpu.memory_space<vmem>>
      %dma_start3A_142 = tpu.memref_squeeze %dma_start3A_141 : memref<1x8x50x64xf32, #tpu.memory_space<vmem>> -> memref<8x50x64xf32, #tpu.memory_space<vmem>>
      %dma_start3A_143 = arith.constant 0 : i32
      %dma_start3A_144 = arith.constant 0 : i32
      %dma_start3A_145 = tpu.memref_slice %dma_start3A_142[%dma_start3A_137, %dma_start3A_143, %dma_start3A_144] : memref<8x50x64xf32, #tpu.memory_space<vmem>> -> memref<1x50x64xf32, #tpu.memory_space<vmem>>
      %dma_start3A_146 = tpu.memref_squeeze %dma_start3A_145 : memref<1x50x64xf32, #tpu.memory_space<vmem>> -> memref<50x64xf32, #tpu.memory_space<vmem>>
      %dma_start3A_147 = arith.constant 0 : i32
      %dma_start3A_148 = arith.constant 0 : i32
      %dma_start3A_149 = tpu.memref_slice %arg5[%dma_start3A_134, %dma_start3A_147, %dma_start3A_148] : memref<2x8x50xi32, #tpu.memory_space<vmem>> -> memref<1x8x50xi32, #tpu.memory_space<vmem>>
      %dma_start3A_150 = tpu.memref_squeeze %dma_start3A_149 : memref<1x8x50xi32, #tpu.memory_space<vmem>> -> memref<8x50xi32, #tpu.memory_space<vmem>>
      %dma_start3A_151 = arith.constant 0 : i32
      %dma_start3A_152 = tpu.memref_slice %dma_start3A_150[%dma_start3A_135, %dma_start3A_151] : memref<8x50xi32, #tpu.memory_space<vmem>> -> memref<1x50xi32, #tpu.memory_space<vmem>>
      %dma_start3A_153 = tpu.memref_squeeze %dma_start3A_152 : memref<1x50xi32, #tpu.memory_space<vmem>> -> memref<50xi32, #tpu.memory_space<vmem>>
      %dma_start3A_154 = arith.constant 0 : i32
      %dma_start3A_155 = arith.constant 0 : i32
      %dma_start3A_156 = tpu.memref_slice %arg3[%dma_start3A_154, %dma_start3A_155] : memref<1000000x64xf32, #tpu.memory_space<hbm>> -> memref<1000000x64xf32, #tpu.memory_space<hbm>>
      tpu.enqueue_indirect_dma source(%dma_start3A_156 : memref<1000000x64xf32, #tpu.memory_space<hbm>>) target(%dma_start3A_146 : memref<50x64xf32, #tpu.memory_space<vmem>>) offsets(%dma_start3A_153 : memref<50xi32, #tpu.memory_space<vmem>>) semaphore(%arg8 : memref<!tpu.dma_semaphore, #tpu.memory_space<semaphore_mem>>)
      %dma_start3A_157 = arith.constant 0 : i32
      %dma_start3A_158 = arith.constant 2 : i32
      %dma_start3A_159 = arith.constant 0 : i32
      %dma_start3A_160 = arith.constant 2 : i32
      %dma_start3A_161 = arith.constant 0 : i32
      %dma_start3A_162 = arith.constant 0 : i32
      %dma_start3A_163 = arith.constant 0 : i32
      %dma_start3A_164 = tpu.memref_slice %arg6[%dma_start3A_159, %dma_start3A_161, %dma_start3A_162, %dma_start3A_163] : memref<2x8x50x64xf32, #tpu.memory_space<vmem>> -> memref<1x8x50x64xf32, #tpu.memory_space<vmem>>
      %dma_start3A_165 = tpu.memref_squeeze %dma_start3A_164 : memref<1x8x50x64xf32, #tpu.memory_space<vmem>> -> memref<8x50x64xf32, #tpu.memory_space<vmem>>
      %dma_start3A_166 = arith.constant 0 : i32
      %dma_start3A_167 = arith.constant 0 : i32
      %dma_start3A_168 = tpu.memref_slice %dma_start3A_165[%dma_start3A_160, %dma_start3A_166, %dma_start3A_167] : memref<8x50x64xf32, #tpu.memory_space<vmem>> -> memref<1x50x64xf32, #tpu.memory_space<vmem>>
      %dma_start3A_169 = tpu.memref_squeeze %dma_start3A_168 : memref<1x50x64xf32, #tpu.memory_space<vmem>> -> memref<50x64xf32, #tpu.memory_space<vmem>>
      %dma_start3A_170 = arith.constant 0 : i32
      %dma_start3A_171 = arith.constant 0 : i32
      %dma_start3A_172 = tpu.memref_slice %arg5[%dma_start3A_157, %dma_start3A_170, %dma_start3A_171] : memref<2x8x50xi32, #tpu.memory_space<vmem>> -> memref<1x8x50xi32, #tpu.memory_space<vmem>>
      %dma_start3A_173 = tpu.memref_squeeze %dma_start3A_172 : memref<1x8x50xi32, #tpu.memory_space<vmem>> -> memref<8x50xi32, #tpu.memory_space<vmem>>
      %dma_start3A_174 = arith.constant 0 : i32
      %dma_start3A_175 = tpu.memref_slice %dma_start3A_173[%dma_start3A_158, %dma_start3A_174] : memref<8x50xi32, #tpu.memory_space<vmem>> -> memref<1x50xi32, #tpu.memory_space<vmem>>
      %dma_start3A_176 = tpu.memref_squeeze %dma_start3A_175 : memref<1x50xi32, #tpu.memory_space<vmem>> -> memref<50xi32, #tpu.memory_space<vmem>>
      %dma_start3A_177 = arith.constant 0 : i32
      %dma_start3A_178 = arith.constant 0 : i32
      %dma_start3A_179 = tpu.memref_slice %arg3[%dma_start3A_177, %dma_start3A_178] : memref<1000000x64xf32, #tpu.memory_space<hbm>> -> memref<1000000x64xf32, #tpu.memory_space<hbm>>
      tpu.enqueue_indirect_dma source(%dma_start3A_179 : memref<1000000x64xf32, #tpu.memory_space<hbm>>) target(%dma_start3A_169 : memref<50x64xf32, #tpu.memory_space<vmem>>) offsets(%dma_start3A_176 : memref<50xi32, #tpu.memory_space<vmem>>) semaphore(%arg8 : memref<!tpu.dma_semaphore, #tpu.memory_space<semaphore_mem>>)
      %dma_start3A_180 = arith.constant 0 : i32
      %dma_start3A_181 = arith.constant 3 : i32
      %dma_start3A_182 = arith.constant 0 : i32
      %dma_start3A_183 = arith.constant 3 : i32
      %dma_start3A_184 = arith.constant 0 : i32
      %dma_start3A_185 = arith.constant 0 : i32
      %dma_start3A_186 = arith.constant 0 : i32
      %dma_start3A_187 = tpu.memref_slice %arg6[%dma_start3A_182, %dma_start3A_184, %dma_start3A_185, %dma_start3A_186] : memref<2x8x50x64xf32, #tpu.memory_space<vmem>> -> memref<1x8x50x64xf32, #tpu.memory_space<vmem>>
      %dma_start3A_188 = tpu.memref_squeeze %dma_start3A_187 : memref<1x8x50x64xf32, #tpu.memory_space<vmem>> -> memref<8x50x64xf32, #tpu.memory_space<vmem>>
      %dma_start3A_189 = arith.constant 0 : i32
      %dma_start3A_190 = arith.constant 0 : i32
      %dma_start3A_191 = tpu.memref_slice %dma_start3A_188[%dma_start3A_183, %dma_start3A_189, %dma_start3A_190] : memref<8x50x64xf32, #tpu.memory_space<vmem>> -> memref<1x50x64xf32, #tpu.memory_space<vmem>>
      %dma_start3A_192 = tpu.memref_squeeze %dma_start3A_191 : memref<1x50x64xf32, #tpu.memory_space<vmem>> -> memref<50x64xf32, #tpu.memory_space<vmem>>
      %dma_start3A_193 = arith.constant 0 : i32
      %dma_start3A_194 = arith.constant 0 : i32
      %dma_start3A_195 = tpu.memref_slice %arg5[%dma_start3A_180, %dma_start3A_193, %dma_start3A_194] : memref<2x8x50xi32, #tpu.memory_space<vmem>> -> memref<1x8x50xi32, #tpu.memory_space<vmem>>
      %dma_start3A_196 = tpu.memref_squeeze %dma_start3A_195 : memref<1x8x50xi32, #tpu.memory_space<vmem>> -> memref<8x50xi32, #tpu.memory_space<vmem>>
      %dma_start3A_197 = arith.constant 0 : i32
      %dma_start3A_198 = tpu.memref_slice %dma_start3A_196[%dma_start3A_181, %dma_start3A_197] : memref<8x50xi32, #tpu.memory_space<vmem>> -> memref<1x50xi32, #tpu.memory_space<vmem>>
      %dma_start3A_199 = tpu.memref_squeeze %dma_start3A_198 : memref<1x50xi32, #tpu.memory_space<vmem>> -> memref<50xi32, #tpu.memory_space<vmem>>
      %dma_start3A_200 = arith.constant 0 : i32
      %dma_start3A_201 = arith.constant 0 : i32
      %dma_start3A_202 = tpu.memref_slice %arg3[%dma_start3A_200, %dma_start3A_201] : memref<1000000x64xf32, #tpu.memory_space<hbm>> -> memref<1000000x64xf32, #tpu.memory_space<hbm>>
      tpu.enqueue_indirect_dma source(%dma_start3A_202 : memref<1000000x64xf32, #tpu.memory_space<hbm>>) target(%dma_start3A_192 : memref<50x64xf32, #tpu.memory_space<vmem>>) offsets(%dma_start3A_199 : memref<50xi32, #tpu.memory_space<vmem>>) semaphore(%arg8 : memref<!tpu.dma_semaphore, #tpu.memory_space<semaphore_mem>>)
      %dma_start3A_203 = arith.constant 0 : i32
      %dma_start3A_204 = arith.constant 4 : i32
      %dma_start3A_205 = arith.constant 0 : i32
      %dma_start3A_206 = arith.constant 4 : i32
      %dma_start3A_207 = arith.constant 0 : i32
      %dma_start3A_208 = arith.constant 0 : i32
      %dma_start3A_209 = arith.constant 0 : i32
      %dma_start3A_210 = tpu.memref_slice %arg6[%dma_start3A_205, %dma_start3A_207, %dma_start3A_208, %dma_start3A_209] : memref<2x8x50x64xf32, #tpu.memory_space<vmem>> -> memref<1x8x50x64xf32, #tpu.memory_space<vmem>>
      %dma_start3A_211 = tpu.memref_squeeze %dma_start3A_210 : memref<1x8x50x64xf32, #tpu.memory_space<vmem>> -> memref<8x50x64xf32, #tpu.memory_space<vmem>>
      %dma_start3A_212 = arith.constant 0 : i32
      %dma_start3A_213 = arith.constant 0 : i32
      %dma_start3A_214 = tpu.memref_slice %dma_start3A_211[%dma_start3A_206, %dma_start3A_212, %dma_start3A_213] : memref<8x50x64xf32, #tpu.memory_space<vmem>> -> memref<1x50x64xf32, #tpu.memory_space<vmem>>
      %dma_start3A_215 = tpu.memref_squeeze %dma_start3A_214 : memref<1x50x64xf32, #tpu.memory_space<vmem>> -> memref<50x64xf32, #tpu.memory_space<vmem>>
      %dma_start3A_216 = arith.constant 0 : i32
      %dma_start3A_217 = arith.constant 0 : i32
      %dma_start3A_218 = tpu.memref_slice %arg5[%dma_start3A_203, %dma_start3A_216, %dma_start3A_217] : memref<2x8x50xi32, #tpu.memory_space<vmem>> -> memref<1x8x50xi32, #tpu.memory_space<vmem>>
      %dma_start3A_219 = tpu.memref_squeeze %dma_start3A_218 : memref<1x8x50xi32, #tpu.memory_space<vmem>> -> memref<8x50xi32, #tpu.memory_space<vmem>>
      %dma_start3A_220 = arith.constant 0 : i32
      %dma_start3A_221 = tpu.memref_slice %dma_start3A_219[%dma_start3A_204, %dma_start3A_220] : memref<8x50xi32, #tpu.memory_space<vmem>> -> memref<1x50xi32, #tpu.memory_space<vmem>>
      %dma_start3A_222 = tpu.memref_squeeze %dma_start3A_221 : memref<1x50xi32, #tpu.memory_space<vmem>> -> memref<50xi32, #tpu.memory_space<vmem>>
      %dma_start3A_223 = arith.constant 0 : i32
      %dma_start3A_224 = arith.constant 0 : i32
      %dma_start3A_225 = tpu.memref_slice %arg3[%dma_start3A_223, %dma_start3A_224] : memref<1000000x64xf32, #tpu.memory_space<hbm>> -> memref<1000000x64xf32, #tpu.memory_space<hbm>>
      tpu.enqueue_indirect_dma source(%dma_start3A_225 : memref<1000000x64xf32, #tpu.memory_space<hbm>>) target(%dma_start3A_215 : memref<50x64xf32, #tpu.memory_space<vmem>>) offsets(%dma_start3A_222 : memref<50xi32, #tpu.memory_space<vmem>>) semaphore(%arg8 : memref<!tpu.dma_semaphore, #tpu.memory_space<semaphore_mem>>)
      %dma_start3A_226 = arith.constant 0 : i32
      %dma_start3A_227 = arith.constant 5 : i32
      %dma_start3A_228 = arith.constant 0 : i32
      %dma_start3A_229 = arith.constant 5 : i32
      %dma_start3A_230 = arith.constant 0 : i32
      %dma_start3A_231 = arith.constant 0 : i32
      %dma_start3A_232 = arith.constant 0 : i32
      %dma_start3A_233 = tpu.memref_slice %arg6[%dma_start3A_228, %dma_start3A_230, %dma_start3A_231, %dma_start3A_232] : memref<2x8x50x64xf32, #tpu.memory_space<vmem>> -> memref<1x8x50x64xf32, #tpu.memory_space<vmem>>
      %dma_start3A_234 = tpu.memref_squeeze %dma_start3A_233 : memref<1x8x50x64xf32, #tpu.memory_space<vmem>> -> memref<8x50x64xf32, #tpu.memory_space<vmem>>
      %dma_start3A_235 = arith.constant 0 : i32
      %dma_start3A_236 = arith.constant 0 : i32
      %dma_start3A_237 = tpu.memref_slice %dma_start3A_234[%dma_start3A_229, %dma_start3A_235, %dma_start3A_236] : memref<8x50x64xf32, #tpu.memory_space<vmem>> -> memref<1x50x64xf32, #tpu.memory_space<vmem>>
      %dma_start3A_238 = tpu.memref_squeeze %dma_start3A_237 : memref<1x50x64xf32, #tpu.memory_space<vmem>> -> memref<50x64xf32, #tpu.memory_space<vmem>>
      %dma_start3A_239 = arith.constant 0 : i32
      %dma_start3A_240 = arith.constant 0 : i32
      %dma_start3A_241 = tpu.memref_slice %arg5[%dma_start3A_226, %dma_start3A_239, %dma_start3A_240] : memref<2x8x50xi32, #tpu.memory_space<vmem>> -> memref<1x8x50xi32, #tpu.memory_space<vmem>>
      %dma_start3A_242 = tpu.memref_squeeze %dma_start3A_241 : memref<1x8x50xi32, #tpu.memory_space<vmem>> -> memref<8x50xi32, #tpu.memory_space<vmem>>
      %dma_start3A_243 = arith.constant 0 : i32
      %dma_start3A_244 = tpu.memref_slice %dma_start3A_242[%dma_start3A_227, %dma_start3A_243] : memref<8x50xi32, #tpu.memory_space<vmem>> -> memref<1x50xi32, #tpu.memory_space<vmem>>
      %dma_start3A_245 = tpu.memref_squeeze %dma_start3A_244 : memref<1x50xi32, #tpu.memory_space<vmem>> -> memref<50xi32, #tpu.memory_space<vmem>>
      %dma_start3A_246 = arith.constant 0 : i32
      %dma_start3A_247 = arith.constant 0 : i32
      %dma_start3A_248 = tpu.memref_slice %arg3[%dma_start3A_246, %dma_start3A_247] : memref<1000000x64xf32, #tpu.memory_space<hbm>> -> memref<1000000x64xf32, #tpu.memory_space<hbm>>
      tpu.enqueue_indirect_dma source(%dma_start3A_248 : memref<1000000x64xf32, #tpu.memory_space<hbm>>) target(%dma_start3A_238 : memref<50x64xf32, #tpu.memory_space<vmem>>) offsets(%dma_start3A_245 : memref<50xi32, #tpu.memory_space<vmem>>) semaphore(%arg8 : memref<!tpu.dma_semaphore, #tpu.memory_space<semaphore_mem>>)
      %dma_start3A_249 = arith.constant 0 : i32
      %dma_start3A_250 = arith.constant 6 : i32
      %dma_start3A_251 = arith.constant 0 : i32
      %dma_start3A_252 = arith.constant 6 : i32
      %dma_start3A_253 = arith.constant 0 : i32
      %dma_start3A_254 = arith.constant 0 : i32
      %dma_start3A_255 = arith.constant 0 : i32
      %dma_start3A_256 = tpu.memref_slice %arg6[%dma_start3A_251, %dma_start3A_253, %dma_start3A_254, %dma_start3A_255] : memref<2x8x50x64xf32, #tpu.memory_space<vmem>> -> memref<1x8x50x64xf32, #tpu.memory_space<vmem>>
      %dma_start3A_257 = tpu.memref_squeeze %dma_start3A_256 : memref<1x8x50x64xf32, #tpu.memory_space<vmem>> -> memref<8x50x64xf32, #tpu.memory_space<vmem>>
      %dma_start3A_258 = arith.constant 0 : i32
      %dma_start3A_259 = arith.constant 0 : i32
      %dma_start3A_260 = tpu.memref_slice %dma_start3A_257[%dma_start3A_252, %dma_start3A_258, %dma_start3A_259] : memref<8x50x64xf32, #tpu.memory_space<vmem>> -> memref<1x50x64xf32, #tpu.memory_space<vmem>>
      %dma_start3A_261 = tpu.memref_squeeze %dma_start3A_260 : memref<1x50x64xf32, #tpu.memory_space<vmem>> -> memref<50x64xf32, #tpu.memory_space<vmem>>
      %dma_start3A_262 = arith.constant 0 : i32
      %dma_start3A_263 = arith.constant 0 : i32
      %dma_start3A_264 = tpu.memref_slice %arg5[%dma_start3A_249, %dma_start3A_262, %dma_start3A_263] : memref<2x8x50xi32, #tpu.memory_space<vmem>> -> memref<1x8x50xi32, #tpu.memory_space<vmem>>
      %dma_start3A_265 = tpu.memref_squeeze %dma_start3A_264 : memref<1x8x50xi32, #tpu.memory_space<vmem>> -> memref<8x50xi32, #tpu.memory_space<vmem>>
      %dma_start3A_266 = arith.constant 0 : i32
      %dma_start3A_267 = tpu.memref_slice %dma_start3A_265[%dma_start3A_250, %dma_start3A_266] : memref<8x50xi32, #tpu.memory_space<vmem>> -> memref<1x50xi32, #tpu.memory_space<vmem>>
      %dma_start3A_268 = tpu.memref_squeeze %dma_start3A_267 : memref<1x50xi32, #tpu.memory_space<vmem>> -> memref<50xi32, #tpu.memory_space<vmem>>
      %dma_start3A_269 = arith.constant 0 : i32
      %dma_start3A_270 = arith.constant 0 : i32
      %dma_start3A_271 = tpu.memref_slice %arg3[%dma_start3A_269, %dma_start3A_270] : memref<1000000x64xf32, #tpu.memory_space<hbm>> -> memref<1000000x64xf32, #tpu.memory_space<hbm>>
      tpu.enqueue_indirect_dma source(%dma_start3A_271 : memref<1000000x64xf32, #tpu.memory_space<hbm>>) target(%dma_start3A_261 : memref<50x64xf32, #tpu.memory_space<vmem>>) offsets(%dma_start3A_268 : memref<50xi32, #tpu.memory_space<vmem>>) semaphore(%arg8 : memref<!tpu.dma_semaphore, #tpu.memory_space<semaphore_mem>>)
      %dma_start3A_272 = arith.constant 0 : i32
      %dma_start3A_273 = arith.constant 7 : i32
      %dma_start3A_274 = arith.constant 0 : i32
      %dma_start3A_275 = arith.constant 7 : i32
      %dma_start3A_276 = arith.constant 0 : i32
      %dma_start3A_277 = arith.constant 0 : i32
      %dma_start3A_278 = arith.constant 0 : i32
      %dma_start3A_279 = tpu.memref_slice %arg6[%dma_start3A_274, %dma_start3A_276, %dma_start3A_277, %dma_start3A_278] : memref<2x8x50x64xf32, #tpu.memory_space<vmem>> -> memref<1x8x50x64xf32, #tpu.memory_space<vmem>>
      %dma_start3A_280 = tpu.memref_squeeze %dma_start3A_279 : memref<1x8x50x64xf32, #tpu.memory_space<vmem>> -> memref<8x50x64xf32, #tpu.memory_space<vmem>>
      %dma_start3A_281 = arith.constant 0 : i32
      %dma_start3A_282 = arith.constant 0 : i32
      %dma_start3A_283 = tpu.memref_slice %dma_start3A_280[%dma_start3A_275, %dma_start3A_281, %dma_start3A_282] : memref<8x50x64xf32, #tpu.memory_space<vmem>> -> memref<1x50x64xf32, #tpu.memory_space<vmem>>
      %dma_start3A_284 = tpu.memref_squeeze %dma_start3A_283 : memref<1x50x64xf32, #tpu.memory_space<vmem>> -> memref<50x64xf32, #tpu.memory_space<vmem>>
      %dma_start3A_285 = arith.constant 0 : i32
      %dma_start3A_286 = arith.constant 0 : i32
      %dma_start3A_287 = tpu.memref_slice %arg5[%dma_start3A_272, %dma_start3A_285, %dma_start3A_286] : memref<2x8x50xi32, #tpu.memory_space<vmem>> -> memref<1x8x50xi32, #tpu.memory_space<vmem>>
      %dma_start3A_288 = tpu.memref_squeeze %dma_start3A_287 : memref<1x8x50xi32, #tpu.memory_space<vmem>> -> memref<8x50xi32, #tpu.memory_space<vmem>>
      %dma_start3A_289 = arith.constant 0 : i32
      %dma_start3A_290 = tpu.memref_slice %dma_start3A_288[%dma_start3A_273, %dma_start3A_289] : memref<8x50xi32, #tpu.memory_space<vmem>> -> memref<1x50xi32, #tpu.memory_space<vmem>>
      %dma_start3A_291 = tpu.memref_squeeze %dma_start3A_290 : memref<1x50xi32, #tpu.memory_space<vmem>> -> memref<50xi32, #tpu.memory_space<vmem>>
      %dma_start3A_292 = arith.constant 0 : i32
      %dma_start3A_293 = arith.constant 0 : i32
      %dma_start3A_294 = tpu.memref_slice %arg3[%dma_start3A_292, %dma_start3A_293] : memref<1000000x64xf32, #tpu.memory_space<hbm>> -> memref<1000000x64xf32, #tpu.memory_space<hbm>>
      tpu.enqueue_indirect_dma source(%dma_start3A_294 : memref<1000000x64xf32, #tpu.memory_space<hbm>>) target(%dma_start3A_284 : memref<50x64xf32, #tpu.memory_space<vmem>>) offsets(%dma_start3A_291 : memref<50xi32, #tpu.memory_space<vmem>>) semaphore(%arg8 : memref<!tpu.dma_semaphore, #tpu.memory_space<semaphore_mem>>)
      %dma_wait3A_295 = arith.constant 0 : i32
      %dma_wait3A_296 = arith.constant 0 : i32
      %dma_wait3A_297 = arith.constant 0 : i32
      %dma_wait3A_298 = arith.constant 0 : i32
      %dma_wait3A_299 = arith.constant 0 : i32
      %dma_wait3A_300 = arith.constant 0 : i32
      %dma_wait3A_301 = arith.constant 0 : i32
      %dma_wait3A_302 = tpu.memref_slice %arg6[%dma_wait3A_297, %dma_wait3A_299, %dma_wait3A_300, %dma_wait3A_301] : memref<2x8x50x64xf32, #tpu.memory_space<vmem>> -> memref<1x8x50x64xf32, #tpu.memory_space<vmem>>
      %dma_wait3A_303 = tpu.memref_squeeze %dma_wait3A_302 : memref<1x8x50x64xf32, #tpu.memory_space<vmem>> -> memref<8x50x64xf32, #tpu.memory_space<vmem>>
      %dma_wait3A_304 = arith.constant 0 : i32
      %dma_wait3A_305 = arith.constant 0 : i32
      %dma_wait3A_306 = tpu.memref_slice %dma_wait3A_303[%dma_wait3A_298, %dma_wait3A_304, %dma_wait3A_305] : memref<8x50x64xf32, #tpu.memory_space<vmem>> -> memref<1x50x64xf32, #tpu.memory_space<vmem>>
      %dma_wait3A_307 = tpu.memref_squeeze %dma_wait3A_306 : memref<1x50x64xf32, #tpu.memory_space<vmem>> -> memref<50x64xf32, #tpu.memory_space<vmem>>
      %dma_wait3A_308 = arith.constant 0 : i32
      %dma_wait3A_309 = arith.constant 0 : i32
      %dma_wait3A_310 = tpu.memref_slice %arg5[%dma_wait3A_295, %dma_wait3A_308, %dma_wait3A_309] : memref<2x8x50xi32, #tpu.memory_space<vmem>> -> memref<1x8x50xi32, #tpu.memory_space<vmem>>
      %dma_wait3A_311 = tpu.memref_squeeze %dma_wait3A_310 : memref<1x8x50xi32, #tpu.memory_space<vmem>> -> memref<8x50xi32, #tpu.memory_space<vmem>>
      %dma_wait3A_312 = arith.constant 0 : i32
      %dma_wait3A_313 = tpu.memref_slice %dma_wait3A_311[%dma_wait3A_296, %dma_wait3A_312] : memref<8x50xi32, #tpu.memory_space<vmem>> -> memref<1x50xi32, #tpu.memory_space<vmem>>
      %dma_wait3A_314 = tpu.memref_squeeze %dma_wait3A_313 : memref<1x50xi32, #tpu.memory_space<vmem>> -> memref<50xi32, #tpu.memory_space<vmem>>
      %dma_wait3A_315 = arith.constant 0 : i32
      %dma_wait3A_316 = arith.constant 0 : i32
      %dma_wait3A_317 = tpu.memref_slice %arg3[%dma_wait3A_315, %dma_wait3A_316] : memref<1000000x64xf32, #tpu.memory_space<hbm>> -> memref<1000000x64xf32, #tpu.memory_space<hbm>>
      tpu.wait_indirect_dma semaphore(%arg8 : memref<!tpu.dma_semaphore, #tpu.memory_space<semaphore_mem>>) src(%dma_wait3A_317 : memref<1000000x64xf32, #tpu.memory_space<hbm>>) dst(%dma_wait3A_307 : memref<50x64xf32, #tpu.memory_space<vmem>>)
      %dma_wait3A_318 = arith.constant 0 : i32
      %dma_wait3A_319 = arith.constant 1 : i32
      %dma_wait3A_320 = arith.constant 0 : i32
      %dma_wait3A_321 = arith.constant 1 : i32
      %dma_wait3A_322 = arith.constant 0 : i32
      %dma_wait3A_323 = arith.constant 0 : i32
      %dma_wait3A_324 = arith.constant 0 : i32
      %dma_wait3A_325 = tpu.memref_slice %arg6[%dma_wait3A_320, %dma_wait3A_322, %dma_wait3A_323, %dma_wait3A_324] : memref<2x8x50x64xf32, #tpu.memory_space<vmem>> -> memref<1x8x50x64xf32, #tpu.memory_space<vmem>>
      %dma_wait3A_326 = tpu.memref_squeeze %dma_wait3A_325 : memref<1x8x50x64xf32, #tpu.memory_space<vmem>> -> memref<8x50x64xf32, #tpu.memory_space<vmem>>
      %dma_wait3A_327 = arith.constant 0 : i32
      %dma_wait3A_328 = arith.constant 0 : i32
      %dma_wait3A_329 = tpu.memref_slice %dma_wait3A_326[%dma_wait3A_321, %dma_wait3A_327, %dma_wait3A_328] : memref<8x50x64xf32, #tpu.memory_space<vmem>> -> memref<1x50x64xf32, #tpu.memory_space<vmem>>
      %dma_wait3A_330 = tpu.memref_squeeze %dma_wait3A_329 : memref<1x50x64xf32, #tpu.memory_space<vmem>> -> memref<50x64xf32, #tpu.memory_space<vmem>>
      %dma_wait3A_331 = arith.constant 0 : i32
      %dma_wait3A_332 = arith.constant 0 : i32
      %dma_wait3A_333 = tpu.memref_slice %arg5[%dma_wait3A_318, %dma_wait3A_331, %dma_wait3A_332] : memref<2x8x50xi32, #tpu.memory_space<vmem>> -> memref<1x8x50xi32, #tpu.memory_space<vmem>>
      %dma_wait3A_334 = tpu.memref_squeeze %dma_wait3A_333 : memref<1x8x50xi32, #tpu.memory_space<vmem>> -> memref<8x50xi32, #tpu.memory_space<vmem>>
      %dma_wait3A_335 = arith.constant 0 : i32
      %dma_wait3A_336 = tpu.memref_slice %dma_wait3A_334[%dma_wait3A_319, %dma_wait3A_335] : memref<8x50xi32, #tpu.memory_space<vmem>> -> memref<1x50xi32, #tpu.memory_space<vmem>>
      %dma_wait3A_337 = tpu.memref_squeeze %dma_wait3A_336 : memref<1x50xi32, #tpu.memory_space<vmem>> -> memref<50xi32, #tpu.memory_space<vmem>>
      %dma_wait3A_338 = arith.constant 0 : i32
      %dma_wait3A_339 = arith.constant 0 : i32
      %dma_wait3A_340 = tpu.memref_slice %arg3[%dma_wait3A_338, %dma_wait3A_339] : memref<1000000x64xf32, #tpu.memory_space<hbm>> -> memref<1000000x64xf32, #tpu.memory_space<hbm>>
      tpu.wait_indirect_dma semaphore(%arg8 : memref<!tpu.dma_semaphore, #tpu.memory_space<semaphore_mem>>) src(%dma_wait3A_340 : memref<1000000x64xf32, #tpu.memory_space<hbm>>) dst(%dma_wait3A_330 : memref<50x64xf32, #tpu.memory_space<vmem>>)
      %dma_wait3A_341 = arith.constant 0 : i32
      %dma_wait3A_342 = arith.constant 2 : i32
      %dma_wait3A_343 = arith.constant 0 : i32
      %dma_wait3A_344 = arith.constant 2 : i32
      %dma_wait3A_345 = arith.constant 0 : i32
      %dma_wait3A_346 = arith.constant 0 : i32
      %dma_wait3A_347 = arith.constant 0 : i32
      %dma_wait3A_348 = tpu.memref_slice %arg6[%dma_wait3A_343, %dma_wait3A_345, %dma_wait3A_346, %dma_wait3A_347] : memref<2x8x50x64xf32, #tpu.memory_space<vmem>> -> memref<1x8x50x64xf32, #tpu.memory_space<vmem>>
      %dma_wait3A_349 = tpu.memref_squeeze %dma_wait3A_348 : memref<1x8x50x64xf32, #tpu.memory_space<vmem>> -> memref<8x50x64xf32, #tpu.memory_space<vmem>>
      %dma_wait3A_350 = arith.constant 0 : i32
      %dma_wait3A_351 = arith.constant 0 : i32
      %dma_wait3A_352 = tpu.memref_slice %dma_wait3A_349[%dma_wait3A_344, %dma_wait3A_350, %dma_wait3A_351] : memref<8x50x64xf32, #tpu.memory_space<vmem>> -> memref<1x50x64xf32, #tpu.memory_space<vmem>>
      %dma_wait3A_353 = tpu.memref_squeeze %dma_wait3A_352 : memref<1x50x64xf32, #tpu.memory_space<vmem>> -> memref<50x64xf32, #tpu.memory_space<vmem>>
      %dma_wait3A_354 = arith.constant 0 : i32
      %dma_wait3A_355 = arith.constant 0 : i32
      %dma_wait3A_356 = tpu.memref_slice %arg5[%dma_wait3A_341, %dma_wait3A_354, %dma_wait3A_355] : memref<2x8x50xi32, #tpu.memory_space<vmem>> -> memref<1x8x50xi32, #tpu.memory_space<vmem>>
      %dma_wait3A_357 = tpu.memref_squeeze %dma_wait3A_356 : memref<1x8x50xi32, #tpu.memory_space<vmem>> -> memref<8x50xi32, #tpu.memory_space<vmem>>
      %dma_wait3A_358 = arith.constant 0 : i32
      %dma_wait3A_359 = tpu.memref_slice %dma_wait3A_357[%dma_wait3A_342, %dma_wait3A_358] : memref<8x50xi32, #tpu.memory_space<vmem>> -> memref<1x50xi32, #tpu.memory_space<vmem>>
      %dma_wait3A_360 = tpu.memref_squeeze %dma_wait3A_359 : memref<1x50xi32, #tpu.memory_space<vmem>> -> memref<50xi32, #tpu.memory_space<vmem>>
      %dma_wait3A_361 = arith.constant 0 : i32
      %dma_wait3A_362 = arith.constant 0 : i32
      %dma_wait3A_363 = tpu.memref_slice %arg3[%dma_wait3A_361, %dma_wait3A_362] : memref<1000000x64xf32, #tpu.memory_space<hbm>> -> memref<1000000x64xf32, #tpu.memory_space<hbm>>
      tpu.wait_indirect_dma semaphore(%arg8 : memref<!tpu.dma_semaphore, #tpu.memory_space<semaphore_mem>>) src(%dma_wait3A_363 : memref<1000000x64xf32, #tpu.memory_space<hbm>>) dst(%dma_wait3A_353 : memref<50x64xf32, #tpu.memory_space<vmem>>)
      %dma_wait3A_364 = arith.constant 0 : i32
      %dma_wait3A_365 = arith.constant 3 : i32
      %dma_wait3A_366 = arith.constant 0 : i32
      %dma_wait3A_367 = arith.constant 3 : i32
      %dma_wait3A_368 = arith.constant 0 : i32
      %dma_wait3A_369 = arith.constant 0 : i32
      %dma_wait3A_370 = arith.constant 0 : i32
      %dma_wait3A_371 = tpu.memref_slice %arg6[%dma_wait3A_366, %dma_wait3A_368, %dma_wait3A_369, %dma_wait3A_370] : memref<2x8x50x64xf32, #tpu.memory_space<vmem>> -> memref<1x8x50x64xf32, #tpu.memory_space<vmem>>
      %dma_wait3A_372 = tpu.memref_squeeze %dma_wait3A_371 : memref<1x8x50x64xf32, #tpu.memory_space<vmem>> -> memref<8x50x64xf32, #tpu.memory_space<vmem>>
      %dma_wait3A_373 = arith.constant 0 : i32
      %dma_wait3A_374 = arith.constant 0 : i32
      %dma_wait3A_375 = tpu.memref_slice %dma_wait3A_372[%dma_wait3A_367, %dma_wait3A_373, %dma_wait3A_374] : memref<8x50x64xf32, #tpu.memory_space<vmem>> -> memref<1x50x64xf32, #tpu.memory_space<vmem>>
      %dma_wait3A_376 = tpu.memref_squeeze %dma_wait3A_375 : memref<1x50x64xf32, #tpu.memory_space<vmem>> -> memref<50x64xf32, #tpu.memory_space<vmem>>
      %dma_wait3A_377 = arith.constant 0 : i32
      %dma_wait3A_378 = arith.constant 0 : i32
      %dma_wait3A_379 = tpu.memref_slice %arg5[%dma_wait3A_364, %dma_wait3A_377, %dma_wait3A_378] : memref<2x8x50xi32, #tpu.memory_space<vmem>> -> memref<1x8x50xi32, #tpu.memory_space<vmem>>
      %dma_wait3A_380 = tpu.memref_squeeze %dma_wait3A_379 : memref<1x8x50xi32, #tpu.memory_space<vmem>> -> memref<8x50xi32, #tpu.memory_space<vmem>>
      %dma_wait3A_381 = arith.constant 0 : i32
      %dma_wait3A_382 = tpu.memref_slice %dma_wait3A_380[%dma_wait3A_365, %dma_wait3A_381] : memref<8x50xi32, #tpu.memory_space<vmem>> -> memref<1x50xi32, #tpu.memory_space<vmem>>
      %dma_wait3A_383 = tpu.memref_squeeze %dma_wait3A_382 : memref<1x50xi32, #tpu.memory_space<vmem>> -> memref<50xi32, #tpu.memory_space<vmem>>
      %dma_wait3A_384 = arith.constant 0 : i32
      %dma_wait3A_385 = arith.constant 0 : i32
      %dma_wait3A_386 = tpu.memref_slice %arg3[%dma_wait3A_384, %dma_wait3A_385] : memref<1000000x64xf32, #tpu.memory_space<hbm>> -> memref<1000000x64xf32, #tpu.memory_space<hbm>>
      tpu.wait_indirect_dma semaphore(%arg8 : memref<!tpu.dma_semaphore, #tpu.memory_space<semaphore_mem>>) src(%dma_wait3A_386 : memref<1000000x64xf32, #tpu.memory_space<hbm>>) dst(%dma_wait3A_376 : memref<50x64xf32, #tpu.memory_space<vmem>>)
      %dma_wait3A_387 = arith.constant 0 : i32
      %dma_wait3A_388 = arith.constant 4 : i32
      %dma_wait3A_389 = arith.constant 0 : i32
      %dma_wait3A_390 = arith.constant 4 : i32
      %dma_wait3A_391 = arith.constant 0 : i32
      %dma_wait3A_392 = arith.constant 0 : i32
      %dma_wait3A_393 = arith.constant 0 : i32
      %dma_wait3A_394 = tpu.memref_slice %arg6[%dma_wait3A_389, %dma_wait3A_391, %dma_wait3A_392, %dma_wait3A_393] : memref<2x8x50x64xf32, #tpu.memory_space<vmem>> -> memref<1x8x50x64xf32, #tpu.memory_space<vmem>>
      %dma_wait3A_395 = tpu.memref_squeeze %dma_wait3A_394 : memref<1x8x50x64xf32, #tpu.memory_space<vmem>> -> memref<8x50x64xf32, #tpu.memory_space<vmem>>
      %dma_wait3A_396 = arith.constant 0 : i32
      %dma_wait3A_397 = arith.constant 0 : i32
      %dma_wait3A_398 = tpu.memref_slice %dma_wait3A_395[%dma_wait3A_390, %dma_wait3A_396, %dma_wait3A_397] : memref<8x50x64xf32, #tpu.memory_space<vmem>> -> memref<1x50x64xf32, #tpu.memory_space<vmem>>
      %dma_wait3A_399 = tpu.memref_squeeze %dma_wait3A_398 : memref<1x50x64xf32, #tpu.memory_space<vmem>> -> memref<50x64xf32, #tpu.memory_space<vmem>>
      %dma_wait3A_400 = arith.constant 0 : i32
      %dma_wait3A_401 = arith.constant 0 : i32
      %dma_wait3A_402 = tpu.memref_slice %arg5[%dma_wait3A_387, %dma_wait3A_400, %dma_wait3A_401] : memref<2x8x50xi32, #tpu.memory_space<vmem>> -> memref<1x8x50xi32, #tpu.memory_space<vmem>>
      %dma_wait3A_403 = tpu.memref_squeeze %dma_wait3A_402 : memref<1x8x50xi32, #tpu.memory_space<vmem>> -> memref<8x50xi32, #tpu.memory_space<vmem>>
      %dma_wait3A_404 = arith.constant 0 : i32
      %dma_wait3A_405 = tpu.memref_slice %dma_wait3A_403[%dma_wait3A_388, %dma_wait3A_404] : memref<8x50xi32, #tpu.memory_space<vmem>> -> memref<1x50xi32, #tpu.memory_space<vmem>>
      %dma_wait3A_406 = tpu.memref_squeeze %dma_wait3A_405 : memref<1x50xi32, #tpu.memory_space<vmem>> -> memref<50xi32, #tpu.memory_space<vmem>>
      %dma_wait3A_407 = arith.constant 0 : i32
      %dma_wait3A_408 = arith.constant 0 : i32
      %dma_wait3A_409 = tpu.memref_slice %arg3[%dma_wait3A_407, %dma_wait3A_408] : memref<1000000x64xf32, #tpu.memory_space<hbm>> -> memref<1000000x64xf32, #tpu.memory_space<hbm>>
      tpu.wait_indirect_dma semaphore(%arg8 : memref<!tpu.dma_semaphore, #tpu.memory_space<semaphore_mem>>) src(%dma_wait3A_409 : memref<1000000x64xf32, #tpu.memory_space<hbm>>) dst(%dma_wait3A_399 : memref<50x64xf32, #tpu.memory_space<vmem>>)
      %dma_wait3A_410 = arith.constant 0 : i32
      %dma_wait3A_411 = arith.constant 5 : i32
      %dma_wait3A_412 = arith.constant 0 : i32
      %dma_wait3A_413 = arith.constant 5 : i32
      %dma_wait3A_414 = arith.constant 0 : i32
      %dma_wait3A_415 = arith.constant 0 : i32
      %dma_wait3A_416 = arith.constant 0 : i32
      %dma_wait3A_417 = tpu.memref_slice %arg6[%dma_wait3A_412, %dma_wait3A_414, %dma_wait3A_415, %dma_wait3A_416] : memref<2x8x50x64xf32, #tpu.memory_space<vmem>> -> memref<1x8x50x64xf32, #tpu.memory_space<vmem>>
      %dma_wait3A_418 = tpu.memref_squeeze %dma_wait3A_417 : memref<1x8x50x64xf32, #tpu.memory_space<vmem>> -> memref<8x50x64xf32, #tpu.memory_space<vmem>>
      %dma_wait3A_419 = arith.constant 0 : i32
      %dma_wait3A_420 = arith.constant 0 : i32
      %dma_wait3A_421 = tpu.memref_slice %dma_wait3A_418[%dma_wait3A_413, %dma_wait3A_419, %dma_wait3A_420] : memref<8x50x64xf32, #tpu.memory_space<vmem>> -> memref<1x50x64xf32, #tpu.memory_space<vmem>>
      %dma_wait3A_422 = tpu.memref_squeeze %dma_wait3A_421 : memref<1x50x64xf32, #tpu.memory_space<vmem>> -> memref<50x64xf32, #tpu.memory_space<vmem>>
      %dma_wait3A_423 = arith.constant 0 : i32
      %dma_wait3A_424 = arith.constant 0 : i32
      %dma_wait3A_425 = tpu.memref_slice %arg5[%dma_wait3A_410, %dma_wait3A_423, %dma_wait3A_424] : memref<2x8x50xi32, #tpu.memory_space<vmem>> -> memref<1x8x50xi32, #tpu.memory_space<vmem>>
      %dma_wait3A_426 = tpu.memref_squeeze %dma_wait3A_425 : memref<1x8x50xi32, #tpu.memory_space<vmem>> -> memref<8x50xi32, #tpu.memory_space<vmem>>
      %dma_wait3A_427 = arith.constant 0 : i32
      %dma_wait3A_428 = tpu.memref_slice %dma_wait3A_426[%dma_wait3A_411, %dma_wait3A_427] : memref<8x50xi32, #tpu.memory_space<vmem>> -> memref<1x50xi32, #tpu.memory_space<vmem>>
      %dma_wait3A_429 = tpu.memref_squeeze %dma_wait3A_428 : memref<1x50xi32, #tpu.memory_space<vmem>> -> memref<50xi32, #tpu.memory_space<vmem>>
      %dma_wait3A_430 = arith.constant 0 : i32
      %dma_wait3A_431 = arith.constant 0 : i32
      %dma_wait3A_432 = tpu.memref_slice %arg3[%dma_wait3A_430, %dma_wait3A_431] : memref<1000000x64xf32, #tpu.memory_space<hbm>> -> memref<1000000x64xf32, #tpu.memory_space<hbm>>
      tpu.wait_indirect_dma semaphore(%arg8 : memref<!tpu.dma_semaphore, #tpu.memory_space<semaphore_mem>>) src(%dma_wait3A_432 : memref<1000000x64xf32, #tpu.memory_space<hbm>>) dst(%dma_wait3A_422 : memref<50x64xf32, #tpu.memory_space<vmem>>)
      %dma_wait3A_433 = arith.constant 0 : i32
      %dma_wait3A_434 = arith.constant 6 : i32
      %dma_wait3A_435 = arith.constant 0 : i32
      %dma_wait3A_436 = arith.constant 6 : i32
      %dma_wait3A_437 = arith.constant 0 : i32
      %dma_wait3A_438 = arith.constant 0 : i32
      %dma_wait3A_439 = arith.constant 0 : i32
      %dma_wait3A_440 = tpu.memref_slice %arg6[%dma_wait3A_435, %dma_wait3A_437, %dma_wait3A_438, %dma_wait3A_439] : memref<2x8x50x64xf32, #tpu.memory_space<vmem>> -> memref<1x8x50x64xf32, #tpu.memory_space<vmem>>
      %dma_wait3A_441 = tpu.memref_squeeze %dma_wait3A_440 : memref<1x8x50x64xf32, #tpu.memory_space<vmem>> -> memref<8x50x64xf32, #tpu.memory_space<vmem>>
      %dma_wait3A_442 = arith.constant 0 : i32
      %dma_wait3A_443 = arith.constant 0 : i32
      %dma_wait3A_444 = tpu.memref_slice %dma_wait3A_441[%dma_wait3A_436, %dma_wait3A_442, %dma_wait3A_443] : memref<8x50x64xf32, #tpu.memory_space<vmem>> -> memref<1x50x64xf32, #tpu.memory_space<vmem>>
      %dma_wait3A_445 = tpu.memref_squeeze %dma_wait3A_444 : memref<1x50x64xf32, #tpu.memory_space<vmem>> -> memref<50x64xf32, #tpu.memory_space<vmem>>
      %dma_wait3A_446 = arith.constant 0 : i32
      %dma_wait3A_447 = arith.constant 0 : i32
      %dma_wait3A_448 = tpu.memref_slice %arg5[%dma_wait3A_433, %dma_wait3A_446, %dma_wait3A_447] : memref<2x8x50xi32, #tpu.memory_space<vmem>> -> memref<1x8x50xi32, #tpu.memory_space<vmem>>
      %dma_wait3A_449 = tpu.memref_squeeze %dma_wait3A_448 : memref<1x8x50xi32, #tpu.memory_space<vmem>> -> memref<8x50xi32, #tpu.memory_space<vmem>>
      %dma_wait3A_450 = arith.constant 0 : i32
      %dma_wait3A_451 = tpu.memref_slice %dma_wait3A_449[%dma_wait3A_434, %dma_wait3A_450] : memref<8x50xi32, #tpu.memory_space<vmem>> -> memref<1x50xi32, #tpu.memory_space<vmem>>
      %dma_wait3A_452 = tpu.memref_squeeze %dma_wait3A_451 : memref<1x50xi32, #tpu.memory_space<vmem>> -> memref<50xi32, #tpu.memory_space<vmem>>
      %dma_wait3A_453 = arith.constant 0 : i32
      %dma_wait3A_454 = arith.constant 0 : i32
      %dma_wait3A_455 = tpu.memref_slice %arg3[%dma_wait3A_453, %dma_wait3A_454] : memref<1000000x64xf32, #tpu.memory_space<hbm>> -> memref<1000000x64xf32, #tpu.memory_space<hbm>>
      tpu.wait_indirect_dma semaphore(%arg8 : memref<!tpu.dma_semaphore, #tpu.memory_space<semaphore_mem>>) src(%dma_wait3A_455 : memref<1000000x64xf32, #tpu.memory_space<hbm>>) dst(%dma_wait3A_445 : memref<50x64xf32, #tpu.memory_space<vmem>>)
      %dma_wait3A_456 = arith.constant 0 : i32
      %dma_wait3A_457 = arith.constant 7 : i32
      %dma_wait3A_458 = arith.constant 0 : i32
      %dma_wait3A_459 = arith.constant 7 : i32
      %dma_wait3A_460 = arith.constant 0 : i32
      %dma_wait3A_461 = arith.constant 0 : i32
      %dma_wait3A_462 = arith.constant 0 : i32
      %dma_wait3A_463 = tpu.memref_slice %arg6[%dma_wait3A_458, %dma_wait3A_460, %dma_wait3A_461, %dma_wait3A_462] : memref<2x8x50x64xf32, #tpu.memory_space<vmem>> -> memref<1x8x50x64xf32, #tpu.memory_space<vmem>>
      %dma_wait3A_464 = tpu.memref_squeeze %dma_wait3A_463 : memref<1x8x50x64xf32, #tpu.memory_space<vmem>> -> memref<8x50x64xf32, #tpu.memory_space<vmem>>
      %dma_wait3A_465 = arith.constant 0 : i32
      %dma_wait3A_466 = arith.constant 0 : i32
      %dma_wait3A_467 = tpu.memref_slice %dma_wait3A_464[%dma_wait3A_459, %dma_wait3A_465, %dma_wait3A_466] : memref<8x50x64xf32, #tpu.memory_space<vmem>> -> memref<1x50x64xf32, #tpu.memory_space<vmem>>
      %dma_wait3A_468 = tpu.memref_squeeze %dma_wait3A_467 : memref<1x50x64xf32, #tpu.memory_space<vmem>> -> memref<50x64xf32, #tpu.memory_space<vmem>>
      %dma_wait3A_469 = arith.constant 0 : i32
      %dma_wait3A_470 = arith.constant 0 : i32
      %dma_wait3A_471 = tpu.memref_slice %arg5[%dma_wait3A_456, %dma_wait3A_469, %dma_wait3A_470] : memref<2x8x50xi32, #tpu.memory_space<vmem>> -> memref<1x8x50xi32, #tpu.memory_space<vmem>>
      %dma_wait3A_472 = tpu.memref_squeeze %dma_wait3A_471 : memref<1x8x50xi32, #tpu.memory_space<vmem>> -> memref<8x50xi32, #tpu.memory_space<vmem>>
      %dma_wait3A_473 = arith.constant 0 : i32
      %dma_wait3A_474 = tpu.memref_slice %dma_wait3A_472[%dma_wait3A_457, %dma_wait3A_473] : memref<8x50xi32, #tpu.memory_space<vmem>> -> memref<1x50xi32, #tpu.memory_space<vmem>>
      %dma_wait3A_475 = tpu.memref_squeeze %dma_wait3A_474 : memref<1x50xi32, #tpu.memory_space<vmem>> -> memref<50xi32, #tpu.memory_space<vmem>>
      %dma_wait3A_476 = arith.constant 0 : i32
      %dma_wait3A_477 = arith.constant 0 : i32
      %dma_wait3A_478 = tpu.memref_slice %arg3[%dma_wait3A_476, %dma_wait3A_477] : memref<1000000x64xf32, #tpu.memory_space<hbm>> -> memref<1000000x64xf32, #tpu.memory_space<hbm>>
      tpu.wait_indirect_dma semaphore(%arg8 : memref<!tpu.dma_semaphore, #tpu.memory_space<semaphore_mem>>) src(%dma_wait3A_478 : memref<1000000x64xf32, #tpu.memory_space<hbm>>) dst(%dma_wait3A_468 : memref<50x64xf32, #tpu.memory_space<vmem>>)
      %add3A_479 = arith.constant 2 : i32
      %add3A_480 = arith.addi %add3A_90, %add3A_479 : i32
      %lt3A = arith.constant 64 : i32
      %lt3A_481 = arith.cmpi slt, %add3A_480, %lt3A : i32
      %convert_element_type3A_482 = arith.extui %lt3A_481 : i1 to i32
      %cond3A_483 = arith.constant 0 : i32
      %cond3A_484 = arith.cmpi ne, %convert_element_type3A_482, %cond3A_483 : i32
      scf.if %cond3A_484 {
        %add3A_931 = arith.constant 2 : i32
        %add3A_932 = arith.addi %add3A_90, %add3A_931 : i32
        %mul3A_933 = arith.constant 8 : i32
        %mul3A_934 = arith.muli %add3A_932, %mul3A_933 : i32
        %add3A_935 = arith.addi %mul3A_2, %mul3A_934 : i32
        %dma_start3A_936 = arith.constant 0 : i32
        %dma_start3A_937 = arith.constant 0 : i32
        %dma_start3A_938 = arith.constant 0 : i32
        %dma_start3A_939 = arith.constant 0 : i32
        %dma_start3A_940 = tpu.memref_slice %arg5[%dma_start3A_936, %dma_start3A_938, %dma_start3A_939] : memref<2x8x50xi32, #tpu.memory_space<vmem>> -> memref<1x8x50xi32, #tpu.memory_space<vmem>>
        %dma_start3A_941 = tpu.memref_squeeze %dma_start3A_940 : memref<1x8x50xi32, #tpu.memory_space<vmem>> -> memref<8x50xi32, #tpu.memory_space<vmem>>
        %dma_start3A_942 = arith.constant 0 : i32
        %dma_start3A_943 = tpu.memref_slice %arg2[%add3A_935, %dma_start3A_942] : memref<16384x50xi32, #tpu.memory_space<hbm>> -> memref<8x50xi32, #tpu.memory_space<hbm>>
        %dma_start3A_944 = tpu.memref_slice %arg7[%dma_start3A_937] : memref<2x!tpu.dma_semaphore, #tpu.memory_space<semaphore_mem>> -> memref<1x!tpu.dma_semaphore, #tpu.memory_space<semaphore_mem>>
        %dma_start3A_945 = tpu.memref_squeeze %dma_start3A_944 : memref<1x!tpu.dma_semaphore, #tpu.memory_space<semaphore_mem>> -> memref<!tpu.dma_semaphore, #tpu.memory_space<semaphore_mem>>
        %dma_start3A_946 = arith.constant 0 : i32
        %dma_start3A_947 = arith.constant 0 : i32
        %dma_start3A_948 = tpu.memref_slice %arg5[%dma_start3A_936, %dma_start3A_946, %dma_start3A_947] : memref<2x8x50xi32, #tpu.memory_space<vmem>> -> memref<1x8x50xi32, #tpu.memory_space<vmem>>
        %dma_start3A_949 = tpu.memref_squeeze %dma_start3A_948 : memref<1x8x50xi32, #tpu.memory_space<vmem>> -> memref<8x50xi32, #tpu.memory_space<vmem>>
        %dma_start3A_950 = arith.constant 0 : i32
        %dma_start3A_951 = tpu.memref_slice %arg2[%add3A_935, %dma_start3A_950] : memref<16384x50xi32, #tpu.memory_space<hbm>> -> memref<8x50xi32, #tpu.memory_space<hbm>>
        tpu.enqueue_dma source(%dma_start3A_951 : memref<8x50xi32, #tpu.memory_space<hbm>>) target(%dma_start3A_949 : memref<8x50xi32, #tpu.memory_space<vmem>>) target_semaphore(%dma_start3A_945 : memref<!tpu.dma_semaphore, #tpu.memory_space<semaphore_mem>>)
      } else {
      }
      %mul3A_485 = arith.constant 8 : i32
      %mul3A_486 = arith.muli %add3A_90, %mul3A_485 : i32
      %add3A_487 = arith.addi %mul3A_2, %mul3A_486 : i32
      %dma_start3A_488 = arith.constant 0 : i32
      %dma_start3A_489 = arith.constant 0 : i32
      %dma_start3A_490 = arith.constant 0 : i32
      %dma_start3A_491 = arith.constant 0 : i32
      %dma_start3A_492 = arith.constant 0 : i32
      %dma_start3A_493 = tpu.memref_slice %arg6[%dma_start3A_488, %dma_start3A_490, %dma_start3A_491, %dma_start3A_492] : memref<2x8x50x64xf32, #tpu.memory_space<vmem>> -> memref<1x8x50x64xf32, #tpu.memory_space<vmem>>
      %dma_start3A_494 = tpu.memref_squeeze %dma_start3A_493 : memref<1x8x50x64xf32, #tpu.memory_space<vmem>> -> memref<8x50x64xf32, #tpu.memory_space<vmem>>
      %dma_start3A_495 = arith.constant 0 : i32
      %dma_start3A_496 = arith.constant 0 : i32
      %dma_start3A_497 = tpu.memref_slice %arg4[%add3A_487, %dma_start3A_495, %dma_start3A_496] : memref<16384x56x128xf32, #tpu.memory_space<hbm>> -> memref<8x50x64xf32, #tpu.memory_space<hbm>>
      %dma_start3A_498 = tpu.memref_slice %arg9[%dma_start3A_489] : memref<2x!tpu.dma_semaphore, #tpu.memory_space<semaphore_mem>> -> memref<1x!tpu.dma_semaphore, #tpu.memory_space<semaphore_mem>>
      %dma_start3A_499 = tpu.memref_squeeze %dma_start3A_498 : memref<1x!tpu.dma_semaphore, #tpu.memory_space<semaphore_mem>> -> memref<!tpu.dma_semaphore, #tpu.memory_space<semaphore_mem>>
      %dma_start3A_500 = arith.constant 0 : i32
      %dma_start3A_501 = arith.constant 0 : i32
      %dma_start3A_502 = tpu.memref_slice %arg4[%add3A_487, %dma_start3A_500, %dma_start3A_501] : memref<16384x56x128xf32, #tpu.memory_space<hbm>> -> memref<8x50x64xf32, #tpu.memory_space<hbm>>
      %dma_start3A_503 = arith.constant 0 : i32
      %dma_start3A_504 = arith.constant 0 : i32
      %dma_start3A_505 = arith.constant 0 : i32
      %dma_start3A_506 = tpu.memref_slice %arg6[%dma_start3A_488, %dma_start3A_503, %dma_start3A_504, %dma_start3A_505] : memref<2x8x50x64xf32, #tpu.memory_space<vmem>> -> memref<1x8x50x64xf32, #tpu.memory_space<vmem>>
      %dma_start3A_507 = tpu.memref_squeeze %dma_start3A_506 : memref<1x8x50x64xf32, #tpu.memory_space<vmem>> -> memref<8x50x64xf32, #tpu.memory_space<vmem>>
      tpu.enqueue_dma source(%dma_start3A_507 : memref<8x50x64xf32, #tpu.memory_space<vmem>>) target(%dma_start3A_502 : memref<8x50x64xf32, #tpu.memory_space<hbm>>) target_semaphore(%dma_start3A_499 : memref<!tpu.dma_semaphore, #tpu.memory_space<semaphore_mem>>)
      %add3A_508 = arith.constant 1 : i32
      %add3A_509 = arith.addi %mul3A_88, %add3A_508 : i32
      %dma_wait3A_510 = arith.constant 1 : i32
      %dma_wait3A_511 = arith.constant 1 : i32
      %dma_wait3A_512 = arith.constant 0 : i32
      %dma_wait3A_513 = arith.constant 0 : i32
      %dma_wait3A_514 = tpu.memref_slice %arg5[%dma_wait3A_510, %dma_wait3A_512, %dma_wait3A_513] : memref<2x8x50xi32, #tpu.memory_space<vmem>> -> memref<1x8x50xi32, #tpu.memory_space<vmem>>
      %dma_wait3A_515 = tpu.memref_squeeze %dma_wait3A_514 : memref<1x8x50xi32, #tpu.memory_space<vmem>> -> memref<8x50xi32, #tpu.memory_space<vmem>>
      %dma_wait3A_516 = arith.constant 0 : i32
      %dma_wait3A_517 = arith.constant 0 : i32
      %dma_wait3A_518 = tpu.memref_slice %arg2[%dma_wait3A_516, %dma_wait3A_517] : memref<16384x50xi32, #tpu.memory_space<hbm>> -> memref<8x50xi32, #tpu.memory_space<hbm>>
      %dma_wait3A_519 = tpu.memref_slice %arg7[%dma_wait3A_511] : memref<2x!tpu.dma_semaphore, #tpu.memory_space<semaphore_mem>> -> memref<1x!tpu.dma_semaphore, #tpu.memory_space<semaphore_mem>>
      %dma_wait3A_520 = tpu.memref_squeeze %dma_wait3A_519 : memref<1x!tpu.dma_semaphore, #tpu.memory_space<semaphore_mem>> -> memref<!tpu.dma_semaphore, #tpu.memory_space<semaphore_mem>>
      %dma_wait3A_521 = arith.constant 0 : i32
      %dma_wait3A_522 = arith.constant 0 : i32
      %dma_wait3A_523 = tpu.memref_slice %arg5[%dma_wait3A_510, %dma_wait3A_521, %dma_wait3A_522] : memref<2x8x50xi32, #tpu.memory_space<vmem>> -> memref<1x8x50xi32, #tpu.memory_space<vmem>>
      %dma_wait3A_524 = tpu.memref_squeeze %dma_wait3A_523 : memref<1x8x50xi32, #tpu.memory_space<vmem>> -> memref<8x50xi32, #tpu.memory_space<vmem>>
      %dma_wait3A_525 = arith.constant 0 : i32
      %dma_wait3A_526 = arith.constant 0 : i32
      %dma_wait3A_527 = tpu.memref_slice %arg2[%dma_wait3A_525, %dma_wait3A_526] : memref<16384x50xi32, #tpu.memory_space<hbm>> -> memref<8x50xi32, #tpu.memory_space<hbm>>
      tpu.wait_dma2 semaphore(%dma_wait3A_520 : memref<!tpu.dma_semaphore, #tpu.memory_space<semaphore_mem>>) src(%dma_wait3A_527 : memref<8x50xi32, #tpu.memory_space<hbm>>) dst(%dma_wait3A_524 : memref<8x50xi32, #tpu.memory_space<vmem>>)
      %ge3A_528 = arith.constant 2 : i32
      %ge3A_529 = arith.cmpi sge, %add3A_509, %ge3A_528 : i32
      %convert_element_type3A_530 = arith.extui %ge3A_529 : i1 to i32
      %cond3A_531 = arith.constant 0 : i32
      %cond3A_532 = arith.cmpi ne, %convert_element_type3A_530, %cond3A_531 : i32
      scf.if %cond3A_532 {
        %dma_wait3A_931 = arith.constant 1 : i32
        %dma_wait3A_932 = arith.constant 1 : i32
        %dma_wait3A_933 = arith.constant 0 : i32
        %dma_wait3A_934 = arith.constant 0 : i32
        %dma_wait3A_935 = arith.constant 0 : i32
        %dma_wait3A_936 = tpu.memref_slice %arg6[%dma_wait3A_931, %dma_wait3A_933, %dma_wait3A_934, %dma_wait3A_935] : memref<2x8x50x64xf32, #tpu.memory_space<vmem>> -> memref<1x8x50x64xf32, #tpu.memory_space<vmem>>
        %dma_wait3A_937 = tpu.memref_squeeze %dma_wait3A_936 : memref<1x8x50x64xf32, #tpu.memory_space<vmem>> -> memref<8x50x64xf32, #tpu.memory_space<vmem>>
        %dma_wait3A_938 = arith.constant 0 : i32
        %dma_wait3A_939 = arith.constant 0 : i32
        %dma_wait3A_940 = arith.constant 0 : i32
        %dma_wait3A_941 = tpu.memref_slice %arg4[%dma_wait3A_938, %dma_wait3A_939, %dma_wait3A_940] : memref<16384x56x128xf32, #tpu.memory_space<hbm>> -> memref<8x50x64xf32, #tpu.memory_space<hbm>>
        %dma_wait3A_942 = tpu.memref_slice %arg9[%dma_wait3A_932] : memref<2x!tpu.dma_semaphore, #tpu.memory_space<semaphore_mem>> -> memref<1x!tpu.dma_semaphore, #tpu.memory_space<semaphore_mem>>
        %dma_wait3A_943 = tpu.memref_squeeze %dma_wait3A_942 : memref<1x!tpu.dma_semaphore, #tpu.memory_space<semaphore_mem>> -> memref<!tpu.dma_semaphore, #tpu.memory_space<semaphore_mem>>
        %dma_wait3A_944 = arith.constant 0 : i32
        %dma_wait3A_945 = arith.constant 0 : i32
        %dma_wait3A_946 = arith.constant 0 : i32
        %dma_wait3A_947 = tpu.memref_slice %arg4[%dma_wait3A_944, %dma_wait3A_945, %dma_wait3A_946] : memref<16384x56x128xf32, #tpu.memory_space<hbm>> -> memref<8x50x64xf32, #tpu.memory_space<hbm>>
        %dma_wait3A_948 = arith.constant 0 : i32
        %dma_wait3A_949 = arith.constant 0 : i32
        %dma_wait3A_950 = arith.constant 0 : i32
        %dma_wait3A_951 = tpu.memref_slice %arg6[%dma_wait3A_931, %dma_wait3A_948, %dma_wait3A_949, %dma_wait3A_950] : memref<2x8x50x64xf32, #tpu.memory_space<vmem>> -> memref<1x8x50x64xf32, #tpu.memory_space<vmem>>
        %dma_wait3A_952 = tpu.memref_squeeze %dma_wait3A_951 : memref<1x8x50x64xf32, #tpu.memory_space<vmem>> -> memref<8x50x64xf32, #tpu.memory_space<vmem>>
        tpu.wait_dma2 semaphore(%dma_wait3A_943 : memref<!tpu.dma_semaphore, #tpu.memory_space<semaphore_mem>>) src(%dma_wait3A_952 : memref<8x50x64xf32, #tpu.memory_space<vmem>>) dst(%dma_wait3A_947 : memref<8x50x64xf32, #tpu.memory_space<hbm>>)
      } else {
      }
      %dma_start3A_533 = arith.constant 1 : i32
      %dma_start3A_534 = arith.constant 0 : i32
      %dma_start3A_535 = arith.constant 1 : i32
      %dma_start3A_536 = arith.constant 0 : i32
      %dma_start3A_537 = arith.constant 0 : i32
      %dma_start3A_538 = arith.constant 0 : i32
      %dma_start3A_539 = arith.constant 0 : i32
      %dma_start3A_540 = tpu.memref_slice %arg6[%dma_start3A_535, %dma_start3A_537, %dma_start3A_538, %dma_start3A_539] : memref<2x8x50x64xf32, #tpu.memory_space<vmem>> -> memref<1x8x50x64xf32, #tpu.memory_space<vmem>>
      %dma_start3A_541 = tpu.memref_squeeze %dma_start3A_540 : memref<1x8x50x64xf32, #tpu.memory_space<vmem>> -> memref<8x50x64xf32, #tpu.memory_space<vmem>>
      %dma_start3A_542 = arith.constant 0 : i32
      %dma_start3A_543 = arith.constant 0 : i32
      %dma_start3A_544 = tpu.memref_slice %dma_start3A_541[%dma_start3A_536, %dma_start3A_542, %dma_start3A_543] : memref<8x50x64xf32, #tpu.memory_space<vmem>> -> memref<1x50x64xf32, #tpu.memory_space<vmem>>
      %dma_start3A_545 = tpu.memref_squeeze %dma_start3A_544 : memref<1x50x64xf32, #tpu.memory_space<vmem>> -> memref<50x64xf32, #tpu.memory_space<vmem>>
      %dma_start3A_546 = arith.constant 0 : i32
      %dma_start3A_547 = arith.constant 0 : i32
      %dma_start3A_548 = tpu.memref_slice %arg5[%dma_start3A_533, %dma_start3A_546, %dma_start3A_547] : memref<2x8x50xi32, #tpu.memory_space<vmem>> -> memref<1x8x50xi32, #tpu.memory_space<vmem>>
      %dma_start3A_549 = tpu.memref_squeeze %dma_start3A_548 : memref<1x8x50xi32, #tpu.memory_space<vmem>> -> memref<8x50xi32, #tpu.memory_space<vmem>>
      %dma_start3A_550 = arith.constant 0 : i32
      %dma_start3A_551 = tpu.memref_slice %dma_start3A_549[%dma_start3A_534, %dma_start3A_550] : memref<8x50xi32, #tpu.memory_space<vmem>> -> memref<1x50xi32, #tpu.memory_space<vmem>>
      %dma_start3A_552 = tpu.memref_squeeze %dma_start3A_551 : memref<1x50xi32, #tpu.memory_space<vmem>> -> memref<50xi32, #tpu.memory_space<vmem>>
      %dma_start3A_553 = arith.constant 0 : i32
      %dma_start3A_554 = arith.constant 0 : i32
      %dma_start3A_555 = tpu.memref_slice %arg3[%dma_start3A_553, %dma_start3A_554] : memref<1000000x64xf32, #tpu.memory_space<hbm>> -> memref<1000000x64xf32, #tpu.memory_space<hbm>>
      tpu.enqueue_indirect_dma source(%dma_start3A_555 : memref<1000000x64xf32, #tpu.memory_space<hbm>>) target(%dma_start3A_545 : memref<50x64xf32, #tpu.memory_space<vmem>>) offsets(%dma_start3A_552 : memref<50xi32, #tpu.memory_space<vmem>>) semaphore(%arg8 : memref<!tpu.dma_semaphore, #tpu.memory_space<semaphore_mem>>)
      %dma_start3A_556 = arith.constant 1 : i32
      %dma_start3A_557 = arith.constant 1 : i32
      %dma_start3A_558 = arith.constant 1 : i32
      %dma_start3A_559 = arith.constant 1 : i32
      %dma_start3A_560 = arith.constant 0 : i32
      %dma_start3A_561 = arith.constant 0 : i32
      %dma_start3A_562 = arith.constant 0 : i32
      %dma_start3A_563 = tpu.memref_slice %arg6[%dma_start3A_558, %dma_start3A_560, %dma_start3A_561, %dma_start3A_562] : memref<2x8x50x64xf32, #tpu.memory_space<vmem>> -> memref<1x8x50x64xf32, #tpu.memory_space<vmem>>
      %dma_start3A_564 = tpu.memref_squeeze %dma_start3A_563 : memref<1x8x50x64xf32, #tpu.memory_space<vmem>> -> memref<8x50x64xf32, #tpu.memory_space<vmem>>
      %dma_start3A_565 = arith.constant 0 : i32
      %dma_start3A_566 = arith.constant 0 : i32
      %dma_start3A_567 = tpu.memref_slice %dma_start3A_564[%dma_start3A_559, %dma_start3A_565, %dma_start3A_566] : memref<8x50x64xf32, #tpu.memory_space<vmem>> -> memref<1x50x64xf32, #tpu.memory_space<vmem>>
      %dma_start3A_568 = tpu.memref_squeeze %dma_start3A_567 : memref<1x50x64xf32, #tpu.memory_space<vmem>> -> memref<50x64xf32, #tpu.memory_space<vmem>>
      %dma_start3A_569 = arith.constant 0 : i32
      %dma_start3A_570 = arith.constant 0 : i32
      %dma_start3A_571 = tpu.memref_slice %arg5[%dma_start3A_556, %dma_start3A_569, %dma_start3A_570] : memref<2x8x50xi32, #tpu.memory_space<vmem>> -> memref<1x8x50xi32, #tpu.memory_space<vmem>>
      %dma_start3A_572 = tpu.memref_squeeze %dma_start3A_571 : memref<1x8x50xi32, #tpu.memory_space<vmem>> -> memref<8x50xi32, #tpu.memory_space<vmem>>
      %dma_start3A_573 = arith.constant 0 : i32
      %dma_start3A_574 = tpu.memref_slice %dma_start3A_572[%dma_start3A_557, %dma_start3A_573] : memref<8x50xi32, #tpu.memory_space<vmem>> -> memref<1x50xi32, #tpu.memory_space<vmem>>
      %dma_start3A_575 = tpu.memref_squeeze %dma_start3A_574 : memref<1x50xi32, #tpu.memory_space<vmem>> -> memref<50xi32, #tpu.memory_space<vmem>>
      %dma_start3A_576 = arith.constant 0 : i32
      %dma_start3A_577 = arith.constant 0 : i32
      %dma_start3A_578 = tpu.memref_slice %arg3[%dma_start3A_576, %dma_start3A_577] : memref<1000000x64xf32, #tpu.memory_space<hbm>> -> memref<1000000x64xf32, #tpu.memory_space<hbm>>
      tpu.enqueue_indirect_dma source(%dma_start3A_578 : memref<1000000x64xf32, #tpu.memory_space<hbm>>) target(%dma_start3A_568 : memref<50x64xf32, #tpu.memory_space<vmem>>) offsets(%dma_start3A_575 : memref<50xi32, #tpu.memory_space<vmem>>) semaphore(%arg8 : memref<!tpu.dma_semaphore, #tpu.memory_space<semaphore_mem>>)
      %dma_start3A_579 = arith.constant 1 : i32
      %dma_start3A_580 = arith.constant 2 : i32
      %dma_start3A_581 = arith.constant 1 : i32
      %dma_start3A_582 = arith.constant 2 : i32
      %dma_start3A_583 = arith.constant 0 : i32
      %dma_start3A_584 = arith.constant 0 : i32
      %dma_start3A_585 = arith.constant 0 : i32
      %dma_start3A_586 = tpu.memref_slice %arg6[%dma_start3A_581, %dma_start3A_583, %dma_start3A_584, %dma_start3A_585] : memref<2x8x50x64xf32, #tpu.memory_space<vmem>> -> memref<1x8x50x64xf32, #tpu.memory_space<vmem>>
      %dma_start3A_587 = tpu.memref_squeeze %dma_start3A_586 : memref<1x8x50x64xf32, #tpu.memory_space<vmem>> -> memref<8x50x64xf32, #tpu.memory_space<vmem>>
      %dma_start3A_588 = arith.constant 0 : i32
      %dma_start3A_589 = arith.constant 0 : i32
      %dma_start3A_590 = tpu.memref_slice %dma_start3A_587[%dma_start3A_582, %dma_start3A_588, %dma_start3A_589] : memref<8x50x64xf32, #tpu.memory_space<vmem>> -> memref<1x50x64xf32, #tpu.memory_space<vmem>>
      %dma_start3A_591 = tpu.memref_squeeze %dma_start3A_590 : memref<1x50x64xf32, #tpu.memory_space<vmem>> -> memref<50x64xf32, #tpu.memory_space<vmem>>
      %dma_start3A_592 = arith.constant 0 : i32
      %dma_start3A_593 = arith.constant 0 : i32
      %dma_start3A_594 = tpu.memref_slice %arg5[%dma_start3A_579, %dma_start3A_592, %dma_start3A_593] : memref<2x8x50xi32, #tpu.memory_space<vmem>> -> memref<1x8x50xi32, #tpu.memory_space<vmem>>
      %dma_start3A_595 = tpu.memref_squeeze %dma_start3A_594 : memref<1x8x50xi32, #tpu.memory_space<vmem>> -> memref<8x50xi32, #tpu.memory_space<vmem>>
      %dma_start3A_596 = arith.constant 0 : i32
      %dma_start3A_597 = tpu.memref_slice %dma_start3A_595[%dma_start3A_580, %dma_start3A_596] : memref<8x50xi32, #tpu.memory_space<vmem>> -> memref<1x50xi32, #tpu.memory_space<vmem>>
      %dma_start3A_598 = tpu.memref_squeeze %dma_start3A_597 : memref<1x50xi32, #tpu.memory_space<vmem>> -> memref<50xi32, #tpu.memory_space<vmem>>
      %dma_start3A_599 = arith.constant 0 : i32
      %dma_start3A_600 = arith.constant 0 : i32
      %dma_start3A_601 = tpu.memref_slice %arg3[%dma_start3A_599, %dma_start3A_600] : memref<1000000x64xf32, #tpu.memory_space<hbm>> -> memref<1000000x64xf32, #tpu.memory_space<hbm>>
      tpu.enqueue_indirect_dma source(%dma_start3A_601 : memref<1000000x64xf32, #tpu.memory_space<hbm>>) target(%dma_start3A_591 : memref<50x64xf32, #tpu.memory_space<vmem>>) offsets(%dma_start3A_598 : memref<50xi32, #tpu.memory_space<vmem>>) semaphore(%arg8 : memref<!tpu.dma_semaphore, #tpu.memory_space<semaphore_mem>>)
      %dma_start3A_602 = arith.constant 1 : i32
      %dma_start3A_603 = arith.constant 3 : i32
      %dma_start3A_604 = arith.constant 1 : i32
      %dma_start3A_605 = arith.constant 3 : i32
      %dma_start3A_606 = arith.constant 0 : i32
      %dma_start3A_607 = arith.constant 0 : i32
      %dma_start3A_608 = arith.constant 0 : i32
      %dma_start3A_609 = tpu.memref_slice %arg6[%dma_start3A_604, %dma_start3A_606, %dma_start3A_607, %dma_start3A_608] : memref<2x8x50x64xf32, #tpu.memory_space<vmem>> -> memref<1x8x50x64xf32, #tpu.memory_space<vmem>>
      %dma_start3A_610 = tpu.memref_squeeze %dma_start3A_609 : memref<1x8x50x64xf32, #tpu.memory_space<vmem>> -> memref<8x50x64xf32, #tpu.memory_space<vmem>>
      %dma_start3A_611 = arith.constant 0 : i32
      %dma_start3A_612 = arith.constant 0 : i32
      %dma_start3A_613 = tpu.memref_slice %dma_start3A_610[%dma_start3A_605, %dma_start3A_611, %dma_start3A_612] : memref<8x50x64xf32, #tpu.memory_space<vmem>> -> memref<1x50x64xf32, #tpu.memory_space<vmem>>
      %dma_start3A_614 = tpu.memref_squeeze %dma_start3A_613 : memref<1x50x64xf32, #tpu.memory_space<vmem>> -> memref<50x64xf32, #tpu.memory_space<vmem>>
      %dma_start3A_615 = arith.constant 0 : i32
      %dma_start3A_616 = arith.constant 0 : i32
      %dma_start3A_617 = tpu.memref_slice %arg5[%dma_start3A_602, %dma_start3A_615, %dma_start3A_616] : memref<2x8x50xi32, #tpu.memory_space<vmem>> -> memref<1x8x50xi32, #tpu.memory_space<vmem>>
      %dma_start3A_618 = tpu.memref_squeeze %dma_start3A_617 : memref<1x8x50xi32, #tpu.memory_space<vmem>> -> memref<8x50xi32, #tpu.memory_space<vmem>>
      %dma_start3A_619 = arith.constant 0 : i32
      %dma_start3A_620 = tpu.memref_slice %dma_start3A_618[%dma_start3A_603, %dma_start3A_619] : memref<8x50xi32, #tpu.memory_space<vmem>> -> memref<1x50xi32, #tpu.memory_space<vmem>>
      %dma_start3A_621 = tpu.memref_squeeze %dma_start3A_620 : memref<1x50xi32, #tpu.memory_space<vmem>> -> memref<50xi32, #tpu.memory_space<vmem>>
      %dma_start3A_622 = arith.constant 0 : i32
      %dma_start3A_623 = arith.constant 0 : i32
      %dma_start3A_624 = tpu.memref_slice %arg3[%dma_start3A_622, %dma_start3A_623] : memref<1000000x64xf32, #tpu.memory_space<hbm>> -> memref<1000000x64xf32, #tpu.memory_space<hbm>>
      tpu.enqueue_indirect_dma source(%dma_start3A_624 : memref<1000000x64xf32, #tpu.memory_space<hbm>>) target(%dma_start3A_614 : memref<50x64xf32, #tpu.memory_space<vmem>>) offsets(%dma_start3A_621 : memref<50xi32, #tpu.memory_space<vmem>>) semaphore(%arg8 : memref<!tpu.dma_semaphore, #tpu.memory_space<semaphore_mem>>)
      %dma_start3A_625 = arith.constant 1 : i32
      %dma_start3A_626 = arith.constant 4 : i32
      %dma_start3A_627 = arith.constant 1 : i32
      %dma_start3A_628 = arith.constant 4 : i32
      %dma_start3A_629 = arith.constant 0 : i32
      %dma_start3A_630 = arith.constant 0 : i32
      %dma_start3A_631 = arith.constant 0 : i32
      %dma_start3A_632 = tpu.memref_slice %arg6[%dma_start3A_627, %dma_start3A_629, %dma_start3A_630, %dma_start3A_631] : memref<2x8x50x64xf32, #tpu.memory_space<vmem>> -> memref<1x8x50x64xf32, #tpu.memory_space<vmem>>
      %dma_start3A_633 = tpu.memref_squeeze %dma_start3A_632 : memref<1x8x50x64xf32, #tpu.memory_space<vmem>> -> memref<8x50x64xf32, #tpu.memory_space<vmem>>
      %dma_start3A_634 = arith.constant 0 : i32
      %dma_start3A_635 = arith.constant 0 : i32
      %dma_start3A_636 = tpu.memref_slice %dma_start3A_633[%dma_start3A_628, %dma_start3A_634, %dma_start3A_635] : memref<8x50x64xf32, #tpu.memory_space<vmem>> -> memref<1x50x64xf32, #tpu.memory_space<vmem>>
      %dma_start3A_637 = tpu.memref_squeeze %dma_start3A_636 : memref<1x50x64xf32, #tpu.memory_space<vmem>> -> memref<50x64xf32, #tpu.memory_space<vmem>>
      %dma_start3A_638 = arith.constant 0 : i32
      %dma_start3A_639 = arith.constant 0 : i32
      %dma_start3A_640 = tpu.memref_slice %arg5[%dma_start3A_625, %dma_start3A_638, %dma_start3A_639] : memref<2x8x50xi32, #tpu.memory_space<vmem>> -> memref<1x8x50xi32, #tpu.memory_space<vmem>>
      %dma_start3A_641 = tpu.memref_squeeze %dma_start3A_640 : memref<1x8x50xi32, #tpu.memory_space<vmem>> -> memref<8x50xi32, #tpu.memory_space<vmem>>
      %dma_start3A_642 = arith.constant 0 : i32
      %dma_start3A_643 = tpu.memref_slice %dma_start3A_641[%dma_start3A_626, %dma_start3A_642] : memref<8x50xi32, #tpu.memory_space<vmem>> -> memref<1x50xi32, #tpu.memory_space<vmem>>
      %dma_start3A_644 = tpu.memref_squeeze %dma_start3A_643 : memref<1x50xi32, #tpu.memory_space<vmem>> -> memref<50xi32, #tpu.memory_space<vmem>>
      %dma_start3A_645 = arith.constant 0 : i32
      %dma_start3A_646 = arith.constant 0 : i32
      %dma_start3A_647 = tpu.memref_slice %arg3[%dma_start3A_645, %dma_start3A_646] : memref<1000000x64xf32, #tpu.memory_space<hbm>> -> memref<1000000x64xf32, #tpu.memory_space<hbm>>
      tpu.enqueue_indirect_dma source(%dma_start3A_647 : memref<1000000x64xf32, #tpu.memory_space<hbm>>) target(%dma_start3A_637 : memref<50x64xf32, #tpu.memory_space<vmem>>) offsets(%dma_start3A_644 : memref<50xi32, #tpu.memory_space<vmem>>) semaphore(%arg8 : memref<!tpu.dma_semaphore, #tpu.memory_space<semaphore_mem>>)
      %dma_start3A_648 = arith.constant 1 : i32
      %dma_start3A_649 = arith.constant 5 : i32
      %dma_start3A_650 = arith.constant 1 : i32
      %dma_start3A_651 = arith.constant 5 : i32
      %dma_start3A_652 = arith.constant 0 : i32
      %dma_start3A_653 = arith.constant 0 : i32
      %dma_start3A_654 = arith.constant 0 : i32
      %dma_start3A_655 = tpu.memref_slice %arg6[%dma_start3A_650, %dma_start3A_652, %dma_start3A_653, %dma_start3A_654] : memref<2x8x50x64xf32, #tpu.memory_space<vmem>> -> memref<1x8x50x64xf32, #tpu.memory_space<vmem>>
      %dma_start3A_656 = tpu.memref_squeeze %dma_start3A_655 : memref<1x8x50x64xf32, #tpu.memory_space<vmem>> -> memref<8x50x64xf32, #tpu.memory_space<vmem>>
      %dma_start3A_657 = arith.constant 0 : i32
      %dma_start3A_658 = arith.constant 0 : i32
      %dma_start3A_659 = tpu.memref_slice %dma_start3A_656[%dma_start3A_651, %dma_start3A_657, %dma_start3A_658] : memref<8x50x64xf32, #tpu.memory_space<vmem>> -> memref<1x50x64xf32, #tpu.memory_space<vmem>>
      %dma_start3A_660 = tpu.memref_squeeze %dma_start3A_659 : memref<1x50x64xf32, #tpu.memory_space<vmem>> -> memref<50x64xf32, #tpu.memory_space<vmem>>
      %dma_start3A_661 = arith.constant 0 : i32
      %dma_start3A_662 = arith.constant 0 : i32
      %dma_start3A_663 = tpu.memref_slice %arg5[%dma_start3A_648, %dma_start3A_661, %dma_start3A_662] : memref<2x8x50xi32, #tpu.memory_space<vmem>> -> memref<1x8x50xi32, #tpu.memory_space<vmem>>
      %dma_start3A_664 = tpu.memref_squeeze %dma_start3A_663 : memref<1x8x50xi32, #tpu.memory_space<vmem>> -> memref<8x50xi32, #tpu.memory_space<vmem>>
      %dma_start3A_665 = arith.constant 0 : i32
      %dma_start3A_666 = tpu.memref_slice %dma_start3A_664[%dma_start3A_649, %dma_start3A_665] : memref<8x50xi32, #tpu.memory_space<vmem>> -> memref<1x50xi32, #tpu.memory_space<vmem>>
      %dma_start3A_667 = tpu.memref_squeeze %dma_start3A_666 : memref<1x50xi32, #tpu.memory_space<vmem>> -> memref<50xi32, #tpu.memory_space<vmem>>
      %dma_start3A_668 = arith.constant 0 : i32
      %dma_start3A_669 = arith.constant 0 : i32
      %dma_start3A_670 = tpu.memref_slice %arg3[%dma_start3A_668, %dma_start3A_669] : memref<1000000x64xf32, #tpu.memory_space<hbm>> -> memref<1000000x64xf32, #tpu.memory_space<hbm>>
      tpu.enqueue_indirect_dma source(%dma_start3A_670 : memref<1000000x64xf32, #tpu.memory_space<hbm>>) target(%dma_start3A_660 : memref<50x64xf32, #tpu.memory_space<vmem>>) offsets(%dma_start3A_667 : memref<50xi32, #tpu.memory_space<vmem>>) semaphore(%arg8 : memref<!tpu.dma_semaphore, #tpu.memory_space<semaphore_mem>>)
      %dma_start3A_671 = arith.constant 1 : i32
      %dma_start3A_672 = arith.constant 6 : i32
      %dma_start3A_673 = arith.constant 1 : i32
      %dma_start3A_674 = arith.constant 6 : i32
      %dma_start3A_675 = arith.constant 0 : i32
      %dma_start3A_676 = arith.constant 0 : i32
      %dma_start3A_677 = arith.constant 0 : i32
      %dma_start3A_678 = tpu.memref_slice %arg6[%dma_start3A_673, %dma_start3A_675, %dma_start3A_676, %dma_start3A_677] : memref<2x8x50x64xf32, #tpu.memory_space<vmem>> -> memref<1x8x50x64xf32, #tpu.memory_space<vmem>>
      %dma_start3A_679 = tpu.memref_squeeze %dma_start3A_678 : memref<1x8x50x64xf32, #tpu.memory_space<vmem>> -> memref<8x50x64xf32, #tpu.memory_space<vmem>>
      %dma_start3A_680 = arith.constant 0 : i32
      %dma_start3A_681 = arith.constant 0 : i32
      %dma_start3A_682 = tpu.memref_slice %dma_start3A_679[%dma_start3A_674, %dma_start3A_680, %dma_start3A_681] : memref<8x50x64xf32, #tpu.memory_space<vmem>> -> memref<1x50x64xf32, #tpu.memory_space<vmem>>
      %dma_start3A_683 = tpu.memref_squeeze %dma_start3A_682 : memref<1x50x64xf32, #tpu.memory_space<vmem>> -> memref<50x64xf32, #tpu.memory_space<vmem>>
      %dma_start3A_684 = arith.constant 0 : i32
      %dma_start3A_685 = arith.constant 0 : i32
      %dma_start3A_686 = tpu.memref_slice %arg5[%dma_start3A_671, %dma_start3A_684, %dma_start3A_685] : memref<2x8x50xi32, #tpu.memory_space<vmem>> -> memref<1x8x50xi32, #tpu.memory_space<vmem>>
      %dma_start3A_687 = tpu.memref_squeeze %dma_start3A_686 : memref<1x8x50xi32, #tpu.memory_space<vmem>> -> memref<8x50xi32, #tpu.memory_space<vmem>>
      %dma_start3A_688 = arith.constant 0 : i32
      %dma_start3A_689 = tpu.memref_slice %dma_start3A_687[%dma_start3A_672, %dma_start3A_688] : memref<8x50xi32, #tpu.memory_space<vmem>> -> memref<1x50xi32, #tpu.memory_space<vmem>>
      %dma_start3A_690 = tpu.memref_squeeze %dma_start3A_689 : memref<1x50xi32, #tpu.memory_space<vmem>> -> memref<50xi32, #tpu.memory_space<vmem>>
      %dma_start3A_691 = arith.constant 0 : i32
      %dma_start3A_692 = arith.constant 0 : i32
      %dma_start3A_693 = tpu.memref_slice %arg3[%dma_start3A_691, %dma_start3A_692] : memref<1000000x64xf32, #tpu.memory_space<hbm>> -> memref<1000000x64xf32, #tpu.memory_space<hbm>>
      tpu.enqueue_indirect_dma source(%dma_start3A_693 : memref<1000000x64xf32, #tpu.memory_space<hbm>>) target(%dma_start3A_683 : memref<50x64xf32, #tpu.memory_space<vmem>>) offsets(%dma_start3A_690 : memref<50xi32, #tpu.memory_space<vmem>>) semaphore(%arg8 : memref<!tpu.dma_semaphore, #tpu.memory_space<semaphore_mem>>)
      %dma_start3A_694 = arith.constant 1 : i32
      %dma_start3A_695 = arith.constant 7 : i32
      %dma_start3A_696 = arith.constant 1 : i32
      %dma_start3A_697 = arith.constant 7 : i32
      %dma_start3A_698 = arith.constant 0 : i32
      %dma_start3A_699 = arith.constant 0 : i32
      %dma_start3A_700 = arith.constant 0 : i32
      %dma_start3A_701 = tpu.memref_slice %arg6[%dma_start3A_696, %dma_start3A_698, %dma_start3A_699, %dma_start3A_700] : memref<2x8x50x64xf32, #tpu.memory_space<vmem>> -> memref<1x8x50x64xf32, #tpu.memory_space<vmem>>
      %dma_start3A_702 = tpu.memref_squeeze %dma_start3A_701 : memref<1x8x50x64xf32, #tpu.memory_space<vmem>> -> memref<8x50x64xf32, #tpu.memory_space<vmem>>
      %dma_start3A_703 = arith.constant 0 : i32
      %dma_start3A_704 = arith.constant 0 : i32
      %dma_start3A_705 = tpu.memref_slice %dma_start3A_702[%dma_start3A_697, %dma_start3A_703, %dma_start3A_704] : memref<8x50x64xf32, #tpu.memory_space<vmem>> -> memref<1x50x64xf32, #tpu.memory_space<vmem>>
      %dma_start3A_706 = tpu.memref_squeeze %dma_start3A_705 : memref<1x50x64xf32, #tpu.memory_space<vmem>> -> memref<50x64xf32, #tpu.memory_space<vmem>>
      %dma_start3A_707 = arith.constant 0 : i32
      %dma_start3A_708 = arith.constant 0 : i32
      %dma_start3A_709 = tpu.memref_slice %arg5[%dma_start3A_694, %dma_start3A_707, %dma_start3A_708] : memref<2x8x50xi32, #tpu.memory_space<vmem>> -> memref<1x8x50xi32, #tpu.memory_space<vmem>>
      %dma_start3A_710 = tpu.memref_squeeze %dma_start3A_709 : memref<1x8x50xi32, #tpu.memory_space<vmem>> -> memref<8x50xi32, #tpu.memory_space<vmem>>
      %dma_start3A_711 = arith.constant 0 : i32
      %dma_start3A_712 = tpu.memref_slice %dma_start3A_710[%dma_start3A_695, %dma_start3A_711] : memref<8x50xi32, #tpu.memory_space<vmem>> -> memref<1x50xi32, #tpu.memory_space<vmem>>
      %dma_start3A_713 = tpu.memref_squeeze %dma_start3A_712 : memref<1x50xi32, #tpu.memory_space<vmem>> -> memref<50xi32, #tpu.memory_space<vmem>>
      %dma_start3A_714 = arith.constant 0 : i32
      %dma_start3A_715 = arith.constant 0 : i32
      %dma_start3A_716 = tpu.memref_slice %arg3[%dma_start3A_714, %dma_start3A_715] : memref<1000000x64xf32, #tpu.memory_space<hbm>> -> memref<1000000x64xf32, #tpu.memory_space<hbm>>
      tpu.enqueue_indirect_dma source(%dma_start3A_716 : memref<1000000x64xf32, #tpu.memory_space<hbm>>) target(%dma_start3A_706 : memref<50x64xf32, #tpu.memory_space<vmem>>) offsets(%dma_start3A_713 : memref<50xi32, #tpu.memory_space<vmem>>) semaphore(%arg8 : memref<!tpu.dma_semaphore, #tpu.memory_space<semaphore_mem>>)
      %dma_wait3A_717 = arith.constant 1 : i32
      %dma_wait3A_718 = arith.constant 0 : i32
      %dma_wait3A_719 = arith.constant 1 : i32
      %dma_wait3A_720 = arith.constant 0 : i32
      %dma_wait3A_721 = arith.constant 0 : i32
      %dma_wait3A_722 = arith.constant 0 : i32
      %dma_wait3A_723 = arith.constant 0 : i32
      %dma_wait3A_724 = tpu.memref_slice %arg6[%dma_wait3A_719, %dma_wait3A_721, %dma_wait3A_722, %dma_wait3A_723] : memref<2x8x50x64xf32, #tpu.memory_space<vmem>> -> memref<1x8x50x64xf32, #tpu.memory_space<vmem>>
      %dma_wait3A_725 = tpu.memref_squeeze %dma_wait3A_724 : memref<1x8x50x64xf32, #tpu.memory_space<vmem>> -> memref<8x50x64xf32, #tpu.memory_space<vmem>>
      %dma_wait3A_726 = arith.constant 0 : i32
      %dma_wait3A_727 = arith.constant 0 : i32
      %dma_wait3A_728 = tpu.memref_slice %dma_wait3A_725[%dma_wait3A_720, %dma_wait3A_726, %dma_wait3A_727] : memref<8x50x64xf32, #tpu.memory_space<vmem>> -> memref<1x50x64xf32, #tpu.memory_space<vmem>>
      %dma_wait3A_729 = tpu.memref_squeeze %dma_wait3A_728 : memref<1x50x64xf32, #tpu.memory_space<vmem>> -> memref<50x64xf32, #tpu.memory_space<vmem>>
      %dma_wait3A_730 = arith.constant 0 : i32
      %dma_wait3A_731 = arith.constant 0 : i32
      %dma_wait3A_732 = tpu.memref_slice %arg5[%dma_wait3A_717, %dma_wait3A_730, %dma_wait3A_731] : memref<2x8x50xi32, #tpu.memory_space<vmem>> -> memref<1x8x50xi32, #tpu.memory_space<vmem>>
      %dma_wait3A_733 = tpu.memref_squeeze %dma_wait3A_732 : memref<1x8x50xi32, #tpu.memory_space<vmem>> -> memref<8x50xi32, #tpu.memory_space<vmem>>
      %dma_wait3A_734 = arith.constant 0 : i32
      %dma_wait3A_735 = tpu.memref_slice %dma_wait3A_733[%dma_wait3A_718, %dma_wait3A_734] : memref<8x50xi32, #tpu.memory_space<vmem>> -> memref<1x50xi32, #tpu.memory_space<vmem>>
      %dma_wait3A_736 = tpu.memref_squeeze %dma_wait3A_735 : memref<1x50xi32, #tpu.memory_space<vmem>> -> memref<50xi32, #tpu.memory_space<vmem>>
      %dma_wait3A_737 = arith.constant 0 : i32
      %dma_wait3A_738 = arith.constant 0 : i32
      %dma_wait3A_739 = tpu.memref_slice %arg3[%dma_wait3A_737, %dma_wait3A_738] : memref<1000000x64xf32, #tpu.memory_space<hbm>> -> memref<1000000x64xf32, #tpu.memory_space<hbm>>
      tpu.wait_indirect_dma semaphore(%arg8 : memref<!tpu.dma_semaphore, #tpu.memory_space<semaphore_mem>>) src(%dma_wait3A_739 : memref<1000000x64xf32, #tpu.memory_space<hbm>>) dst(%dma_wait3A_729 : memref<50x64xf32, #tpu.memory_space<vmem>>)
      %dma_wait3A_740 = arith.constant 1 : i32
      %dma_wait3A_741 = arith.constant 1 : i32
      %dma_wait3A_742 = arith.constant 1 : i32
      %dma_wait3A_743 = arith.constant 1 : i32
      %dma_wait3A_744 = arith.constant 0 : i32
      %dma_wait3A_745 = arith.constant 0 : i32
      %dma_wait3A_746 = arith.constant 0 : i32
      %dma_wait3A_747 = tpu.memref_slice %arg6[%dma_wait3A_742, %dma_wait3A_744, %dma_wait3A_745, %dma_wait3A_746] : memref<2x8x50x64xf32, #tpu.memory_space<vmem>> -> memref<1x8x50x64xf32, #tpu.memory_space<vmem>>
      %dma_wait3A_748 = tpu.memref_squeeze %dma_wait3A_747 : memref<1x8x50x64xf32, #tpu.memory_space<vmem>> -> memref<8x50x64xf32, #tpu.memory_space<vmem>>
      %dma_wait3A_749 = arith.constant 0 : i32
      %dma_wait3A_750 = arith.constant 0 : i32
      %dma_wait3A_751 = tpu.memref_slice %dma_wait3A_748[%dma_wait3A_743, %dma_wait3A_749, %dma_wait3A_750] : memref<8x50x64xf32, #tpu.memory_space<vmem>> -> memref<1x50x64xf32, #tpu.memory_space<vmem>>
      %dma_wait3A_752 = tpu.memref_squeeze %dma_wait3A_751 : memref<1x50x64xf32, #tpu.memory_space<vmem>> -> memref<50x64xf32, #tpu.memory_space<vmem>>
      %dma_wait3A_753 = arith.constant 0 : i32
      %dma_wait3A_754 = arith.constant 0 : i32
      %dma_wait3A_755 = tpu.memref_slice %arg5[%dma_wait3A_740, %dma_wait3A_753, %dma_wait3A_754] : memref<2x8x50xi32, #tpu.memory_space<vmem>> -> memref<1x8x50xi32, #tpu.memory_space<vmem>>
      %dma_wait3A_756 = tpu.memref_squeeze %dma_wait3A_755 : memref<1x8x50xi32, #tpu.memory_space<vmem>> -> memref<8x50xi32, #tpu.memory_space<vmem>>
      %dma_wait3A_757 = arith.constant 0 : i32
      %dma_wait3A_758 = tpu.memref_slice %dma_wait3A_756[%dma_wait3A_741, %dma_wait3A_757] : memref<8x50xi32, #tpu.memory_space<vmem>> -> memref<1x50xi32, #tpu.memory_space<vmem>>
      %dma_wait3A_759 = tpu.memref_squeeze %dma_wait3A_758 : memref<1x50xi32, #tpu.memory_space<vmem>> -> memref<50xi32, #tpu.memory_space<vmem>>
      %dma_wait3A_760 = arith.constant 0 : i32
      %dma_wait3A_761 = arith.constant 0 : i32
      %dma_wait3A_762 = tpu.memref_slice %arg3[%dma_wait3A_760, %dma_wait3A_761] : memref<1000000x64xf32, #tpu.memory_space<hbm>> -> memref<1000000x64xf32, #tpu.memory_space<hbm>>
      tpu.wait_indirect_dma semaphore(%arg8 : memref<!tpu.dma_semaphore, #tpu.memory_space<semaphore_mem>>) src(%dma_wait3A_762 : memref<1000000x64xf32, #tpu.memory_space<hbm>>) dst(%dma_wait3A_752 : memref<50x64xf32, #tpu.memory_space<vmem>>)
      %dma_wait3A_763 = arith.constant 1 : i32
      %dma_wait3A_764 = arith.constant 2 : i32
      %dma_wait3A_765 = arith.constant 1 : i32
      %dma_wait3A_766 = arith.constant 2 : i32
      %dma_wait3A_767 = arith.constant 0 : i32
      %dma_wait3A_768 = arith.constant 0 : i32
      %dma_wait3A_769 = arith.constant 0 : i32
      %dma_wait3A_770 = tpu.memref_slice %arg6[%dma_wait3A_765, %dma_wait3A_767, %dma_wait3A_768, %dma_wait3A_769] : memref<2x8x50x64xf32, #tpu.memory_space<vmem>> -> memref<1x8x50x64xf32, #tpu.memory_space<vmem>>
      %dma_wait3A_771 = tpu.memref_squeeze %dma_wait3A_770 : memref<1x8x50x64xf32, #tpu.memory_space<vmem>> -> memref<8x50x64xf32, #tpu.memory_space<vmem>>
      %dma_wait3A_772 = arith.constant 0 : i32
      %dma_wait3A_773 = arith.constant 0 : i32
      %dma_wait3A_774 = tpu.memref_slice %dma_wait3A_771[%dma_wait3A_766, %dma_wait3A_772, %dma_wait3A_773] : memref<8x50x64xf32, #tpu.memory_space<vmem>> -> memref<1x50x64xf32, #tpu.memory_space<vmem>>
      %dma_wait3A_775 = tpu.memref_squeeze %dma_wait3A_774 : memref<1x50x64xf32, #tpu.memory_space<vmem>> -> memref<50x64xf32, #tpu.memory_space<vmem>>
      %dma_wait3A_776 = arith.constant 0 : i32
      %dma_wait3A_777 = arith.constant 0 : i32
      %dma_wait3A_778 = tpu.memref_slice %arg5[%dma_wait3A_763, %dma_wait3A_776, %dma_wait3A_777] : memref<2x8x50xi32, #tpu.memory_space<vmem>> -> memref<1x8x50xi32, #tpu.memory_space<vmem>>
      %dma_wait3A_779 = tpu.memref_squeeze %dma_wait3A_778 : memref<1x8x50xi32, #tpu.memory_space<vmem>> -> memref<8x50xi32, #tpu.memory_space<vmem>>
      %dma_wait3A_780 = arith.constant 0 : i32
      %dma_wait3A_781 = tpu.memref_slice %dma_wait3A_779[%dma_wait3A_764, %dma_wait3A_780] : memref<8x50xi32, #tpu.memory_space<vmem>> -> memref<1x50xi32, #tpu.memory_space<vmem>>
      %dma_wait3A_782 = tpu.memref_squeeze %dma_wait3A_781 : memref<1x50xi32, #tpu.memory_space<vmem>> -> memref<50xi32, #tpu.memory_space<vmem>>
      %dma_wait3A_783 = arith.constant 0 : i32
      %dma_wait3A_784 = arith.constant 0 : i32
      %dma_wait3A_785 = tpu.memref_slice %arg3[%dma_wait3A_783, %dma_wait3A_784] : memref<1000000x64xf32, #tpu.memory_space<hbm>> -> memref<1000000x64xf32, #tpu.memory_space<hbm>>
      tpu.wait_indirect_dma semaphore(%arg8 : memref<!tpu.dma_semaphore, #tpu.memory_space<semaphore_mem>>) src(%dma_wait3A_785 : memref<1000000x64xf32, #tpu.memory_space<hbm>>) dst(%dma_wait3A_775 : memref<50x64xf32, #tpu.memory_space<vmem>>)
      %dma_wait3A_786 = arith.constant 1 : i32
      %dma_wait3A_787 = arith.constant 3 : i32
      %dma_wait3A_788 = arith.constant 1 : i32
      %dma_wait3A_789 = arith.constant 3 : i32
      %dma_wait3A_790 = arith.constant 0 : i32
      %dma_wait3A_791 = arith.constant 0 : i32
      %dma_wait3A_792 = arith.constant 0 : i32
      %dma_wait3A_793 = tpu.memref_slice %arg6[%dma_wait3A_788, %dma_wait3A_790, %dma_wait3A_791, %dma_wait3A_792] : memref<2x8x50x64xf32, #tpu.memory_space<vmem>> -> memref<1x8x50x64xf32, #tpu.memory_space<vmem>>
      %dma_wait3A_794 = tpu.memref_squeeze %dma_wait3A_793 : memref<1x8x50x64xf32, #tpu.memory_space<vmem>> -> memref<8x50x64xf32, #tpu.memory_space<vmem>>
      %dma_wait3A_795 = arith.constant 0 : i32
      %dma_wait3A_796 = arith.constant 0 : i32
      %dma_wait3A_797 = tpu.memref_slice %dma_wait3A_794[%dma_wait3A_789, %dma_wait3A_795, %dma_wait3A_796] : memref<8x50x64xf32, #tpu.memory_space<vmem>> -> memref<1x50x64xf32, #tpu.memory_space<vmem>>
      %dma_wait3A_798 = tpu.memref_squeeze %dma_wait3A_797 : memref<1x50x64xf32, #tpu.memory_space<vmem>> -> memref<50x64xf32, #tpu.memory_space<vmem>>
      %dma_wait3A_799 = arith.constant 0 : i32
      %dma_wait3A_800 = arith.constant 0 : i32
      %dma_wait3A_801 = tpu.memref_slice %arg5[%dma_wait3A_786, %dma_wait3A_799, %dma_wait3A_800] : memref<2x8x50xi32, #tpu.memory_space<vmem>> -> memref<1x8x50xi32, #tpu.memory_space<vmem>>
      %dma_wait3A_802 = tpu.memref_squeeze %dma_wait3A_801 : memref<1x8x50xi32, #tpu.memory_space<vmem>> -> memref<8x50xi32, #tpu.memory_space<vmem>>
      %dma_wait3A_803 = arith.constant 0 : i32
      %dma_wait3A_804 = tpu.memref_slice %dma_wait3A_802[%dma_wait3A_787, %dma_wait3A_803] : memref<8x50xi32, #tpu.memory_space<vmem>> -> memref<1x50xi32, #tpu.memory_space<vmem>>
      %dma_wait3A_805 = tpu.memref_squeeze %dma_wait3A_804 : memref<1x50xi32, #tpu.memory_space<vmem>> -> memref<50xi32, #tpu.memory_space<vmem>>
      %dma_wait3A_806 = arith.constant 0 : i32
      %dma_wait3A_807 = arith.constant 0 : i32
      %dma_wait3A_808 = tpu.memref_slice %arg3[%dma_wait3A_806, %dma_wait3A_807] : memref<1000000x64xf32, #tpu.memory_space<hbm>> -> memref<1000000x64xf32, #tpu.memory_space<hbm>>
      tpu.wait_indirect_dma semaphore(%arg8 : memref<!tpu.dma_semaphore, #tpu.memory_space<semaphore_mem>>) src(%dma_wait3A_808 : memref<1000000x64xf32, #tpu.memory_space<hbm>>) dst(%dma_wait3A_798 : memref<50x64xf32, #tpu.memory_space<vmem>>)
      %dma_wait3A_809 = arith.constant 1 : i32
      %dma_wait3A_810 = arith.constant 4 : i32
      %dma_wait3A_811 = arith.constant 1 : i32
      %dma_wait3A_812 = arith.constant 4 : i32
      %dma_wait3A_813 = arith.constant 0 : i32
      %dma_wait3A_814 = arith.constant 0 : i32
      %dma_wait3A_815 = arith.constant 0 : i32
      %dma_wait3A_816 = tpu.memref_slice %arg6[%dma_wait3A_811, %dma_wait3A_813, %dma_wait3A_814, %dma_wait3A_815] : memref<2x8x50x64xf32, #tpu.memory_space<vmem>> -> memref<1x8x50x64xf32, #tpu.memory_space<vmem>>
      %dma_wait3A_817 = tpu.memref_squeeze %dma_wait3A_816 : memref<1x8x50x64xf32, #tpu.memory_space<vmem>> -> memref<8x50x64xf32, #tpu.memory_space<vmem>>
      %dma_wait3A_818 = arith.constant 0 : i32
      %dma_wait3A_819 = arith.constant 0 : i32
      %dma_wait3A_820 = tpu.memref_slice %dma_wait3A_817[%dma_wait3A_812, %dma_wait3A_818, %dma_wait3A_819] : memref<8x50x64xf32, #tpu.memory_space<vmem>> -> memref<1x50x64xf32, #tpu.memory_space<vmem>>
      %dma_wait3A_821 = tpu.memref_squeeze %dma_wait3A_820 : memref<1x50x64xf32, #tpu.memory_space<vmem>> -> memref<50x64xf32, #tpu.memory_space<vmem>>
      %dma_wait3A_822 = arith.constant 0 : i32
      %dma_wait3A_823 = arith.constant 0 : i32
      %dma_wait3A_824 = tpu.memref_slice %arg5[%dma_wait3A_809, %dma_wait3A_822, %dma_wait3A_823] : memref<2x8x50xi32, #tpu.memory_space<vmem>> -> memref<1x8x50xi32, #tpu.memory_space<vmem>>
      %dma_wait3A_825 = tpu.memref_squeeze %dma_wait3A_824 : memref<1x8x50xi32, #tpu.memory_space<vmem>> -> memref<8x50xi32, #tpu.memory_space<vmem>>
      %dma_wait3A_826 = arith.constant 0 : i32
      %dma_wait3A_827 = tpu.memref_slice %dma_wait3A_825[%dma_wait3A_810, %dma_wait3A_826] : memref<8x50xi32, #tpu.memory_space<vmem>> -> memref<1x50xi32, #tpu.memory_space<vmem>>
      %dma_wait3A_828 = tpu.memref_squeeze %dma_wait3A_827 : memref<1x50xi32, #tpu.memory_space<vmem>> -> memref<50xi32, #tpu.memory_space<vmem>>
      %dma_wait3A_829 = arith.constant 0 : i32
      %dma_wait3A_830 = arith.constant 0 : i32
      %dma_wait3A_831 = tpu.memref_slice %arg3[%dma_wait3A_829, %dma_wait3A_830] : memref<1000000x64xf32, #tpu.memory_space<hbm>> -> memref<1000000x64xf32, #tpu.memory_space<hbm>>
      tpu.wait_indirect_dma semaphore(%arg8 : memref<!tpu.dma_semaphore, #tpu.memory_space<semaphore_mem>>) src(%dma_wait3A_831 : memref<1000000x64xf32, #tpu.memory_space<hbm>>) dst(%dma_wait3A_821 : memref<50x64xf32, #tpu.memory_space<vmem>>)
      %dma_wait3A_832 = arith.constant 1 : i32
      %dma_wait3A_833 = arith.constant 5 : i32
      %dma_wait3A_834 = arith.constant 1 : i32
      %dma_wait3A_835 = arith.constant 5 : i32
      %dma_wait3A_836 = arith.constant 0 : i32
      %dma_wait3A_837 = arith.constant 0 : i32
      %dma_wait3A_838 = arith.constant 0 : i32
      %dma_wait3A_839 = tpu.memref_slice %arg6[%dma_wait3A_834, %dma_wait3A_836, %dma_wait3A_837, %dma_wait3A_838] : memref<2x8x50x64xf32, #tpu.memory_space<vmem>> -> memref<1x8x50x64xf32, #tpu.memory_space<vmem>>
      %dma_wait3A_840 = tpu.memref_squeeze %dma_wait3A_839 : memref<1x8x50x64xf32, #tpu.memory_space<vmem>> -> memref<8x50x64xf32, #tpu.memory_space<vmem>>
      %dma_wait3A_841 = arith.constant 0 : i32
      %dma_wait3A_842 = arith.constant 0 : i32
      %dma_wait3A_843 = tpu.memref_slice %dma_wait3A_840[%dma_wait3A_835, %dma_wait3A_841, %dma_wait3A_842] : memref<8x50x64xf32, #tpu.memory_space<vmem>> -> memref<1x50x64xf32, #tpu.memory_space<vmem>>
      %dma_wait3A_844 = tpu.memref_squeeze %dma_wait3A_843 : memref<1x50x64xf32, #tpu.memory_space<vmem>> -> memref<50x64xf32, #tpu.memory_space<vmem>>
      %dma_wait3A_845 = arith.constant 0 : i32
      %dma_wait3A_846 = arith.constant 0 : i32
      %dma_wait3A_847 = tpu.memref_slice %arg5[%dma_wait3A_832, %dma_wait3A_845, %dma_wait3A_846] : memref<2x8x50xi32, #tpu.memory_space<vmem>> -> memref<1x8x50xi32, #tpu.memory_space<vmem>>
      %dma_wait3A_848 = tpu.memref_squeeze %dma_wait3A_847 : memref<1x8x50xi32, #tpu.memory_space<vmem>> -> memref<8x50xi32, #tpu.memory_space<vmem>>
      %dma_wait3A_849 = arith.constant 0 : i32
      %dma_wait3A_850 = tpu.memref_slice %dma_wait3A_848[%dma_wait3A_833, %dma_wait3A_849] : memref<8x50xi32, #tpu.memory_space<vmem>> -> memref<1x50xi32, #tpu.memory_space<vmem>>
      %dma_wait3A_851 = tpu.memref_squeeze %dma_wait3A_850 : memref<1x50xi32, #tpu.memory_space<vmem>> -> memref<50xi32, #tpu.memory_space<vmem>>
      %dma_wait3A_852 = arith.constant 0 : i32
      %dma_wait3A_853 = arith.constant 0 : i32
      %dma_wait3A_854 = tpu.memref_slice %arg3[%dma_wait3A_852, %dma_wait3A_853] : memref<1000000x64xf32, #tpu.memory_space<hbm>> -> memref<1000000x64xf32, #tpu.memory_space<hbm>>
      tpu.wait_indirect_dma semaphore(%arg8 : memref<!tpu.dma_semaphore, #tpu.memory_space<semaphore_mem>>) src(%dma_wait3A_854 : memref<1000000x64xf32, #tpu.memory_space<hbm>>) dst(%dma_wait3A_844 : memref<50x64xf32, #tpu.memory_space<vmem>>)
      %dma_wait3A_855 = arith.constant 1 : i32
      %dma_wait3A_856 = arith.constant 6 : i32
      %dma_wait3A_857 = arith.constant 1 : i32
      %dma_wait3A_858 = arith.constant 6 : i32
      %dma_wait3A_859 = arith.constant 0 : i32
      %dma_wait3A_860 = arith.constant 0 : i32
      %dma_wait3A_861 = arith.constant 0 : i32
      %dma_wait3A_862 = tpu.memref_slice %arg6[%dma_wait3A_857, %dma_wait3A_859, %dma_wait3A_860, %dma_wait3A_861] : memref<2x8x50x64xf32, #tpu.memory_space<vmem>> -> memref<1x8x50x64xf32, #tpu.memory_space<vmem>>
      %dma_wait3A_863 = tpu.memref_squeeze %dma_wait3A_862 : memref<1x8x50x64xf32, #tpu.memory_space<vmem>> -> memref<8x50x64xf32, #tpu.memory_space<vmem>>
      %dma_wait3A_864 = arith.constant 0 : i32
      %dma_wait3A_865 = arith.constant 0 : i32
      %dma_wait3A_866 = tpu.memref_slice %dma_wait3A_863[%dma_wait3A_858, %dma_wait3A_864, %dma_wait3A_865] : memref<8x50x64xf32, #tpu.memory_space<vmem>> -> memref<1x50x64xf32, #tpu.memory_space<vmem>>
      %dma_wait3A_867 = tpu.memref_squeeze %dma_wait3A_866 : memref<1x50x64xf32, #tpu.memory_space<vmem>> -> memref<50x64xf32, #tpu.memory_space<vmem>>
      %dma_wait3A_868 = arith.constant 0 : i32
      %dma_wait3A_869 = arith.constant 0 : i32
      %dma_wait3A_870 = tpu.memref_slice %arg5[%dma_wait3A_855, %dma_wait3A_868, %dma_wait3A_869] : memref<2x8x50xi32, #tpu.memory_space<vmem>> -> memref<1x8x50xi32, #tpu.memory_space<vmem>>
      %dma_wait3A_871 = tpu.memref_squeeze %dma_wait3A_870 : memref<1x8x50xi32, #tpu.memory_space<vmem>> -> memref<8x50xi32, #tpu.memory_space<vmem>>
      %dma_wait3A_872 = arith.constant 0 : i32
      %dma_wait3A_873 = tpu.memref_slice %dma_wait3A_871[%dma_wait3A_856, %dma_wait3A_872] : memref<8x50xi32, #tpu.memory_space<vmem>> -> memref<1x50xi32, #tpu.memory_space<vmem>>
      %dma_wait3A_874 = tpu.memref_squeeze %dma_wait3A_873 : memref<1x50xi32, #tpu.memory_space<vmem>> -> memref<50xi32, #tpu.memory_space<vmem>>
      %dma_wait3A_875 = arith.constant 0 : i32
      %dma_wait3A_876 = arith.constant 0 : i32
      %dma_wait3A_877 = tpu.memref_slice %arg3[%dma_wait3A_875, %dma_wait3A_876] : memref<1000000x64xf32, #tpu.memory_space<hbm>> -> memref<1000000x64xf32, #tpu.memory_space<hbm>>
      tpu.wait_indirect_dma semaphore(%arg8 : memref<!tpu.dma_semaphore, #tpu.memory_space<semaphore_mem>>) src(%dma_wait3A_877 : memref<1000000x64xf32, #tpu.memory_space<hbm>>) dst(%dma_wait3A_867 : memref<50x64xf32, #tpu.memory_space<vmem>>)
      %dma_wait3A_878 = arith.constant 1 : i32
      %dma_wait3A_879 = arith.constant 7 : i32
      %dma_wait3A_880 = arith.constant 1 : i32
      %dma_wait3A_881 = arith.constant 7 : i32
      %dma_wait3A_882 = arith.constant 0 : i32
      %dma_wait3A_883 = arith.constant 0 : i32
      %dma_wait3A_884 = arith.constant 0 : i32
      %dma_wait3A_885 = tpu.memref_slice %arg6[%dma_wait3A_880, %dma_wait3A_882, %dma_wait3A_883, %dma_wait3A_884] : memref<2x8x50x64xf32, #tpu.memory_space<vmem>> -> memref<1x8x50x64xf32, #tpu.memory_space<vmem>>
      %dma_wait3A_886 = tpu.memref_squeeze %dma_wait3A_885 : memref<1x8x50x64xf32, #tpu.memory_space<vmem>> -> memref<8x50x64xf32, #tpu.memory_space<vmem>>
      %dma_wait3A_887 = arith.constant 0 : i32
      %dma_wait3A_888 = arith.constant 0 : i32
      %dma_wait3A_889 = tpu.memref_slice %dma_wait3A_886[%dma_wait3A_881, %dma_wait3A_887, %dma_wait3A_888] : memref<8x50x64xf32, #tpu.memory_space<vmem>> -> memref<1x50x64xf32, #tpu.memory_space<vmem>>
      %dma_wait3A_890 = tpu.memref_squeeze %dma_wait3A_889 : memref<1x50x64xf32, #tpu.memory_space<vmem>> -> memref<50x64xf32, #tpu.memory_space<vmem>>
      %dma_wait3A_891 = arith.constant 0 : i32
      %dma_wait3A_892 = arith.constant 0 : i32
      %dma_wait3A_893 = tpu.memref_slice %arg5[%dma_wait3A_878, %dma_wait3A_891, %dma_wait3A_892] : memref<2x8x50xi32, #tpu.memory_space<vmem>> -> memref<1x8x50xi32, #tpu.memory_space<vmem>>
      %dma_wait3A_894 = tpu.memref_squeeze %dma_wait3A_893 : memref<1x8x50xi32, #tpu.memory_space<vmem>> -> memref<8x50xi32, #tpu.memory_space<vmem>>
      %dma_wait3A_895 = arith.constant 0 : i32
      %dma_wait3A_896 = tpu.memref_slice %dma_wait3A_894[%dma_wait3A_879, %dma_wait3A_895] : memref<8x50xi32, #tpu.memory_space<vmem>> -> memref<1x50xi32, #tpu.memory_space<vmem>>
      %dma_wait3A_897 = tpu.memref_squeeze %dma_wait3A_896 : memref<1x50xi32, #tpu.memory_space<vmem>> -> memref<50xi32, #tpu.memory_space<vmem>>
      %dma_wait3A_898 = arith.constant 0 : i32
      %dma_wait3A_899 = arith.constant 0 : i32
      %dma_wait3A_900 = tpu.memref_slice %arg3[%dma_wait3A_898, %dma_wait3A_899] : memref<1000000x64xf32, #tpu.memory_space<hbm>> -> memref<1000000x64xf32, #tpu.memory_space<hbm>>
      tpu.wait_indirect_dma semaphore(%arg8 : memref<!tpu.dma_semaphore, #tpu.memory_space<semaphore_mem>>) src(%dma_wait3A_900 : memref<1000000x64xf32, #tpu.memory_space<hbm>>) dst(%dma_wait3A_890 : memref<50x64xf32, #tpu.memory_space<vmem>>)
      %add3A_901 = arith.constant 2 : i32
      %add3A_902 = arith.addi %add3A_509, %add3A_901 : i32
      %lt3A_903 = arith.constant 64 : i32
      %lt3A_904 = arith.cmpi slt, %add3A_902, %lt3A_903 : i32
      %convert_element_type3A_905 = arith.extui %lt3A_904 : i1 to i32
      %cond3A_906 = arith.constant 0 : i32
      %cond3A_907 = arith.cmpi ne, %convert_element_type3A_905, %cond3A_906 : i32
      scf.if %cond3A_907 {
        %add3A_931 = arith.constant 2 : i32
        %add3A_932 = arith.addi %add3A_509, %add3A_931 : i32
        %mul3A_933 = arith.constant 8 : i32
        %mul3A_934 = arith.muli %add3A_932, %mul3A_933 : i32
        %add3A_935 = arith.addi %mul3A_2, %mul3A_934 : i32
        %dma_start3A_936 = arith.constant 1 : i32
        %dma_start3A_937 = arith.constant 1 : i32
        %dma_start3A_938 = arith.constant 0 : i32
        %dma_start3A_939 = arith.constant 0 : i32
        %dma_start3A_940 = tpu.memref_slice %arg5[%dma_start3A_936, %dma_start3A_938, %dma_start3A_939] : memref<2x8x50xi32, #tpu.memory_space<vmem>> -> memref<1x8x50xi32, #tpu.memory_space<vmem>>
        %dma_start3A_941 = tpu.memref_squeeze %dma_start3A_940 : memref<1x8x50xi32, #tpu.memory_space<vmem>> -> memref<8x50xi32, #tpu.memory_space<vmem>>
        %dma_start3A_942 = arith.constant 0 : i32
        %dma_start3A_943 = tpu.memref_slice %arg2[%add3A_935, %dma_start3A_942] : memref<16384x50xi32, #tpu.memory_space<hbm>> -> memref<8x50xi32, #tpu.memory_space<hbm>>
        %dma_start3A_944 = tpu.memref_slice %arg7[%dma_start3A_937] : memref<2x!tpu.dma_semaphore, #tpu.memory_space<semaphore_mem>> -> memref<1x!tpu.dma_semaphore, #tpu.memory_space<semaphore_mem>>
        %dma_start3A_945 = tpu.memref_squeeze %dma_start3A_944 : memref<1x!tpu.dma_semaphore, #tpu.memory_space<semaphore_mem>> -> memref<!tpu.dma_semaphore, #tpu.memory_space<semaphore_mem>>
        %dma_start3A_946 = arith.constant 0 : i32
        %dma_start3A_947 = arith.constant 0 : i32
        %dma_start3A_948 = tpu.memref_slice %arg5[%dma_start3A_936, %dma_start3A_946, %dma_start3A_947] : memref<2x8x50xi32, #tpu.memory_space<vmem>> -> memref<1x8x50xi32, #tpu.memory_space<vmem>>
        %dma_start3A_949 = tpu.memref_squeeze %dma_start3A_948 : memref<1x8x50xi32, #tpu.memory_space<vmem>> -> memref<8x50xi32, #tpu.memory_space<vmem>>
        %dma_start3A_950 = arith.constant 0 : i32
        %dma_start3A_951 = tpu.memref_slice %arg2[%add3A_935, %dma_start3A_950] : memref<16384x50xi32, #tpu.memory_space<hbm>> -> memref<8x50xi32, #tpu.memory_space<hbm>>
        tpu.enqueue_dma source(%dma_start3A_951 : memref<8x50xi32, #tpu.memory_space<hbm>>) target(%dma_start3A_949 : memref<8x50xi32, #tpu.memory_space<vmem>>) target_semaphore(%dma_start3A_945 : memref<!tpu.dma_semaphore, #tpu.memory_space<semaphore_mem>>)
      } else {
      }
      %mul3A_908 = arith.constant 8 : i32
      %mul3A_909 = arith.muli %add3A_509, %mul3A_908 : i32
      %add3A_910 = arith.addi %mul3A_2, %mul3A_909 : i32
      %dma_start3A_911 = arith.constant 1 : i32
      %dma_start3A_912 = arith.constant 1 : i32
      %dma_start3A_913 = arith.constant 0 : i32
      %dma_start3A_914 = arith.constant 0 : i32
      %dma_start3A_915 = arith.constant 0 : i32
      %dma_start3A_916 = tpu.memref_slice %arg6[%dma_start3A_911, %dma_start3A_913, %dma_start3A_914, %dma_start3A_915] : memref<2x8x50x64xf32, #tpu.memory_space<vmem>> -> memref<1x8x50x64xf32, #tpu.memory_space<vmem>>
      %dma_start3A_917 = tpu.memref_squeeze %dma_start3A_916 : memref<1x8x50x64xf32, #tpu.memory_space<vmem>> -> memref<8x50x64xf32, #tpu.memory_space<vmem>>
      %dma_start3A_918 = arith.constant 0 : i32
      %dma_start3A_919 = arith.constant 0 : i32
      %dma_start3A_920 = tpu.memref_slice %arg4[%add3A_910, %dma_start3A_918, %dma_start3A_919] : memref<16384x56x128xf32, #tpu.memory_space<hbm>> -> memref<8x50x64xf32, #tpu.memory_space<hbm>>
      %dma_start3A_921 = tpu.memref_slice %arg9[%dma_start3A_912] : memref<2x!tpu.dma_semaphore, #tpu.memory_space<semaphore_mem>> -> memref<1x!tpu.dma_semaphore, #tpu.memory_space<semaphore_mem>>
      %dma_start3A_922 = tpu.memref_squeeze %dma_start3A_921 : memref<1x!tpu.dma_semaphore, #tpu.memory_space<semaphore_mem>> -> memref<!tpu.dma_semaphore, #tpu.memory_space<semaphore_mem>>
      %dma_start3A_923 = arith.constant 0 : i32
      %dma_start3A_924 = arith.constant 0 : i32
      %dma_start3A_925 = tpu.memref_slice %arg4[%add3A_910, %dma_start3A_923, %dma_start3A_924] : memref<16384x56x128xf32, #tpu.memory_space<hbm>> -> memref<8x50x64xf32, #tpu.memory_space<hbm>>
      %dma_start3A_926 = arith.constant 0 : i32
      %dma_start3A_927 = arith.constant 0 : i32
      %dma_start3A_928 = arith.constant 0 : i32
      %dma_start3A_929 = tpu.memref_slice %arg6[%dma_start3A_911, %dma_start3A_926, %dma_start3A_927, %dma_start3A_928] : memref<2x8x50x64xf32, #tpu.memory_space<vmem>> -> memref<1x8x50x64xf32, #tpu.memory_space<vmem>>
      %dma_start3A_930 = tpu.memref_squeeze %dma_start3A_929 : memref<1x8x50x64xf32, #tpu.memory_space<vmem>> -> memref<8x50x64xf32, #tpu.memory_space<vmem>>
      tpu.enqueue_dma source(%dma_start3A_930 : memref<8x50x64xf32, #tpu.memory_space<vmem>>) target(%dma_start3A_925 : memref<8x50x64xf32, #tpu.memory_space<hbm>>) target_semaphore(%dma_start3A_922 : memref<!tpu.dma_semaphore, #tpu.memory_space<semaphore_mem>>)
    }
    %scan3A_42 = arith.constant 32 : i32
    %dma_wait3A = arith.constant 0 : i32
    %dma_wait3A_43 = arith.constant 0 : i32
    %dma_wait3A_44 = arith.constant 0 : i32
    %dma_wait3A_45 = arith.constant 0 : i32
    %dma_wait3A_46 = arith.constant 0 : i32
    %dma_wait3A_47 = tpu.memref_slice %arg6[%dma_wait3A, %dma_wait3A_44, %dma_wait3A_45, %dma_wait3A_46] : memref<2x8x50x64xf32, #tpu.memory_space<vmem>> -> memref<1x8x50x64xf32, #tpu.memory_space<vmem>>
    %dma_wait3A_48 = tpu.memref_squeeze %dma_wait3A_47 : memref<1x8x50x64xf32, #tpu.memory_space<vmem>> -> memref<8x50x64xf32, #tpu.memory_space<vmem>>
    %dma_wait3A_49 = arith.constant 0 : i32
    %dma_wait3A_50 = arith.constant 0 : i32
    %dma_wait3A_51 = arith.constant 0 : i32
    %dma_wait3A_52 = tpu.memref_slice %arg4[%dma_wait3A_49, %dma_wait3A_50, %dma_wait3A_51] : memref<16384x56x128xf32, #tpu.memory_space<hbm>> -> memref<8x50x64xf32, #tpu.memory_space<hbm>>
    %dma_wait3A_53 = tpu.memref_slice %arg9[%dma_wait3A_43] : memref<2x!tpu.dma_semaphore, #tpu.memory_space<semaphore_mem>> -> memref<1x!tpu.dma_semaphore, #tpu.memory_space<semaphore_mem>>
    %dma_wait3A_54 = tpu.memref_squeeze %dma_wait3A_53 : memref<1x!tpu.dma_semaphore, #tpu.memory_space<semaphore_mem>> -> memref<!tpu.dma_semaphore, #tpu.memory_space<semaphore_mem>>
    %dma_wait3A_55 = arith.constant 0 : i32
    %dma_wait3A_56 = arith.constant 0 : i32
    %dma_wait3A_57 = arith.constant 0 : i32
    %dma_wait3A_58 = tpu.memref_slice %arg4[%dma_wait3A_55, %dma_wait3A_56, %dma_wait3A_57] : memref<16384x56x128xf32, #tpu.memory_space<hbm>> -> memref<8x50x64xf32, #tpu.memory_space<hbm>>
    %dma_wait3A_59 = arith.constant 0 : i32
    %dma_wait3A_60 = arith.constant 0 : i32
    %dma_wait3A_61 = arith.constant 0 : i32
    %dma_wait3A_62 = tpu.memref_slice %arg6[%dma_wait3A, %dma_wait3A_59, %dma_wait3A_60, %dma_wait3A_61] : memref<2x8x50x64xf32, #tpu.memory_space<vmem>> -> memref<1x8x50x64xf32, #tpu.memory_space<vmem>>
    %dma_wait3A_63 = tpu.memref_squeeze %dma_wait3A_62 : memref<1x8x50x64xf32, #tpu.memory_space<vmem>> -> memref<8x50x64xf32, #tpu.memory_space<vmem>>
    tpu.wait_dma2 semaphore(%dma_wait3A_54 : memref<!tpu.dma_semaphore, #tpu.memory_space<semaphore_mem>>) src(%dma_wait3A_63 : memref<8x50x64xf32, #tpu.memory_space<vmem>>) dst(%dma_wait3A_58 : memref<8x50x64xf32, #tpu.memory_space<hbm>>)
    %dma_wait3A_64 = arith.constant 1 : i32
    %dma_wait3A_65 = arith.constant 1 : i32
    %dma_wait3A_66 = arith.constant 0 : i32
    %dma_wait3A_67 = arith.constant 0 : i32
    %dma_wait3A_68 = arith.constant 0 : i32
    %dma_wait3A_69 = tpu.memref_slice %arg6[%dma_wait3A_64, %dma_wait3A_66, %dma_wait3A_67, %dma_wait3A_68] : memref<2x8x50x64xf32, #tpu.memory_space<vmem>> -> memref<1x8x50x64xf32, #tpu.memory_space<vmem>>
    %dma_wait3A_70 = tpu.memref_squeeze %dma_wait3A_69 : memref<1x8x50x64xf32, #tpu.memory_space<vmem>> -> memref<8x50x64xf32, #tpu.memory_space<vmem>>
    %dma_wait3A_71 = arith.constant 0 : i32
    %dma_wait3A_72 = arith.constant 0 : i32
    %dma_wait3A_73 = arith.constant 0 : i32
    %dma_wait3A_74 = tpu.memref_slice %arg4[%dma_wait3A_71, %dma_wait3A_72, %dma_wait3A_73] : memref<16384x56x128xf32, #tpu.memory_space<hbm>> -> memref<8x50x64xf32, #tpu.memory_space<hbm>>
    %dma_wait3A_75 = tpu.memref_slice %arg9[%dma_wait3A_65] : memref<2x!tpu.dma_semaphore, #tpu.memory_space<semaphore_mem>> -> memref<1x!tpu.dma_semaphore, #tpu.memory_space<semaphore_mem>>
    %dma_wait3A_76 = tpu.memref_squeeze %dma_wait3A_75 : memref<1x!tpu.dma_semaphore, #tpu.memory_space<semaphore_mem>> -> memref<!tpu.dma_semaphore, #tpu.memory_space<semaphore_mem>>
    %dma_wait3A_77 = arith.constant 0 : i32
    %dma_wait3A_78 = arith.constant 0 : i32
    %dma_wait3A_79 = arith.constant 0 : i32
    %dma_wait3A_80 = tpu.memref_slice %arg4[%dma_wait3A_77, %dma_wait3A_78, %dma_wait3A_79] : memref<16384x56x128xf32, #tpu.memory_space<hbm>> -> memref<8x50x64xf32, #tpu.memory_space<hbm>>
    %dma_wait3A_81 = arith.constant 0 : i32
    %dma_wait3A_82 = arith.constant 0 : i32
    %dma_wait3A_83 = arith.constant 0 : i32
    %dma_wait3A_84 = tpu.memref_slice %arg6[%dma_wait3A_64, %dma_wait3A_81, %dma_wait3A_82, %dma_wait3A_83] : memref<2x8x50x64xf32, #tpu.memory_space<vmem>> -> memref<1x8x50x64xf32, #tpu.memory_space<vmem>>
    %dma_wait3A_85 = tpu.memref_squeeze %dma_wait3A_84 : memref<1x8x50x64xf32, #tpu.memory_space<vmem>> -> memref<8x50x64xf32, #tpu.memory_space<vmem>>
    tpu.wait_dma2 semaphore(%dma_wait3A_76 : memref<!tpu.dma_semaphore, #tpu.memory_space<semaphore_mem>>) src(%dma_wait3A_85 : memref<8x50x64xf32, #tpu.memory_space<vmem>>) dst(%dma_wait3A_80 : memref<8x50x64xf32, #tpu.memory_space<hbm>>)
    return
  }
}

</mosaic_0001>

<sc_bundles>
// kernel: kernel.3.cloned.1.call-start
scs
__scs_entry_jumppad:
0x0: {  	(pc) =	sbr.rel $0x88, $3  }
0x1: {  	(tag) =	ssettag $0x0;
	lr =	simm.s32 $0x1  }
0x2: {  	[smem:$0x3F9F] =	sst lr;
	_ =	strace $0xD0000000  }
0x3: {  	_ = 	snop  }
0x4: {  	_ = 	snop  }
0x5: {  	_ = 	snop  }
0x6: {  	_ = 	snop  }
0x7: {  	_ = 	snop  }
__scs_overlays_trampoline_lowered:
0x8: {  	[smem:$0x3FAE] =	sst s0  }
0x9: {  	[smem:$0x3FAF] =	sst s1  }
0xa: {  	[smem:$0x3FB0] =	sst s2  }
0xb: {  	[smem:$0x3FB1] =	sst s3  }
0xc: {  	[smem:$0x3FB2] =	sst s4  }
0xd: {  	[smem:$0x3FB3] =	sst s5  }
0xe: {  	[smem:$0x3FB4] =	sst s6  }
0xf: {  	[smem:$0x3FB5] =	sst s7  }
0x10: {  	[smem:$0x3FB6] =	sst s8  }
0x11: {  	[smem:$0x3FB7] =	sst s9;
	s0 =	simm.s32 @!p0 $0x0  }
0x12: {  	s1 =	sld [smem:$0x3F9D];
	s0 =	simm.s32 @p0 $0x1  }
0x13: {  	[smem:$0x3FB8] =	sst s0;
	s0 =	simm.s32 @!p1 $0x0  }
0x14: {  	s2 =	sld [smem:$0x3F9C];
	s0 =	simm.s32 @p1 $0x1  }
0x15: {  	[smem:$0x3FB9] =	sst s0;
	s0 =	simm.s32 @!p2 $0x0  }
0x16: {  	s3 =	sld [smem:$0x3FDB];
	s0 =	simm.s32 @p2 $0x1  }
0x17: {  	s4 =	simm.s32 $0x1BF5;
	[smem:$0x3FBB] =	sst s0  }
0x18: {  	s0 =	sld [smem:$0x3F9E];
	_ =	swait.ge [sflag:s4], $0x0  }
0x19: {  	s7 =	sld [smem:$0x3F9F]  }
0x1a: {  	s8 =	sadd.s32 $0xFFFFE003, lr  }
0x1b: {  	s9 =	sadd.s32 $0xFFFFFEF7, lr;
	s5 =	simm.s32 $0xFFFFFFFF;
	p2 =	slt.u32 s8, $0xFFFFF086  }
0x1c: {  	p1 =	slt.u32 s9, $0xF7A;
	s5 =	simm.s32 @!p2 $0x0  }
0x1d: {  	s5 =	simm.s32 @p1 $0x1;
	p0 =	seq.s32 s7, s2  }
0x1e: {  	s7 =	smul.u32 @!p0 $0xF7A, s2;
	p2 =	seq.s32 @!p0 s5, $0x0  }
0x1f: {  	s9 =	smul.u32 $0xF7A, s1;
	s8 =	simm.s32 @!p0 $0x1BF5;
	p2 =	por !p2, p0  }
0x20: {  	[sflag:s8] =	ssyncset.s32 @!p0 $0xFFFFF086;
	s6 =	sadd.s32 @!p0 s3, s7;
	s7 =	simm.s32 @!p0 $0x108  }
0x21: {  	s3 =	sadd.s32 s3, s9;
	s6 =	sadd.s32 @!p0 $0x88, s6;
	s7 =	simm.s32 @p2 $0x1082  }
0x22: {  	[simem:s7], [sflag:s8] =	dma.local @!p0 [hbm:s6], $0xF7A  }
0x23: {  	s9 =	sor.u32 $0xD0000000, s2;
	s6 =	simm.s32 $0x108;
	_ =	swait.ge @!p0 [sflag:s8], $0x0  }
0x24: {  	s3 =	sadd.s32 $0x88, s3;
	s6 =	simm.s32 @!p1 $0x1082;
	[sflag:s4] =	ssyncset.s32 $0xFFFFF086  }
0x25: {  	[simem:s6], [sflag:s4] =	dma.local [hbm:s3], $0xF7A  }
0x26: {  	[smem:$0x3F9F] =	sst s1;
	(tag) =	ssettag s2;
	_ =	strace s9  }
0x27: {  	s1 =	sld [smem:$0x3FAF]  }
0x28: {  	s2 =	sld [smem:$0x3FB0]  }
0x29: {  	s4 =	sld [smem:$0x3FB2]  }
0x2a: {  	p0 =	seq.s32 s5, $0x0;
	s5 =	sld [smem:$0x3FB3]  }
0x2b: {  	s6 =	sld [smem:$0x3FB4]  }
0x2c: {  	s7 =	sld [smem:$0x3FB5]  }
0x2d: {  	s3 =	simm.s32 $0x108;
	s8 =	sld [smem:$0x3FB6]  }
0x2e: {  	s3 =	simm.s32 @!p0 $0x1082;
	s9 =	sld [smem:$0x3FB7]  }
0x2f: {  	lr =	sadd.s32 s0, s3;
	s0 =	sld [smem:$0x3FAE]  }
0x30: {  	s3 =	sld [smem:$0x3FB1]  }
0x31: {  	[smem:$0x3FBA] =	sst s10  }
0x32: {  	s10 =	sld [smem:$0x3FB8];
	_ =	sdelay $0x3  }
0x33: {  	p0 =	seq.s32 s10, $0x1;
	s10 =	sld [smem:$0x3FBA];
	_ =	sdelay $0x3  }
0x34: {  	[smem:$0x3FBA] =	sst s10  }
0x35: {  	s10 =	sld [smem:$0x3FB9];
	_ =	sdelay $0x3  }
0x36: {  	p1 =	seq.s32 s10, $0x1;
	s10 =	sld [smem:$0x3FBA];
	_ =	sdelay $0x3  }
0x37: {  	[smem:$0x3FBA] =	sst s10  }
0x38: {  	s10 =	sld [smem:$0x3FBB]  }
0x39: {  	_ = 	snop;
	(pc) =	sbr.ind lr, $3  }
0x3a: {  	_ = 	snop  }
0x3b: {  	_ = 	snop  }
0x3c: {  	p2 =	seq.s32 s10, $0x1;
	s10 =	sld [smem:$0x3FBA]  }
0x3d: {  	_ =	shalt  }
0x3e: {  	_ =	shalt  }
0x3f: {  	_ =	shalt  }
0x40: {  	_ =	shalt  }
0x41: {  	_ =	shalt  }
0x42: {  	_ =	shalt  }
0x43: {  	_ =	shalt  }
0x44: {  	_ =	shalt  }
0x45: {  	_ =	shalt  }
0x46: {  	_ =	shalt  }
0x47: {  	_ =	shalt  }
0x48: {  	_ =	shalt  }
0x49: {  	_ =	shalt  }
0x4a: {  	_ =	shalt  }
0x4b: {  	_ =	shalt  }
0x4c: {  	_ =	shalt  }
0x4d: {  	_ =	shalt  }
0x4e: {  	_ =	shalt  }
0x4f: {  	_ =	shalt  }
0x50: {  	_ =	shalt  }
0x51: {  	_ =	shalt  }
0x52: {  	_ =	shalt  }
0x53: {  	_ =	shalt  }
0x54: {  	_ =	shalt  }
0x55: {  	_ =	shalt  }
0x56: {  	_ =	shalt  }
0x57: {  	_ =	shalt  }
0x58: {  	_ =	shalt  }
0x59: {  	_ =	shalt  }
0x5a: {  	_ =	shalt  }
0x5b: {  	_ =	shalt  }
0x5c: {  	_ =	shalt  }
0x5d: {  	_ =	shalt  }
0x5e: {  	_ =	shalt  }
0x5f: {  	_ =	shalt  }
0x60: {  	_ =	shalt  }
0x61: {  	_ =	shalt  }
0x62: {  	_ =	shalt  }
0x63: {  	_ =	shalt  }
0x64: {  	_ =	shalt  }
0x65: {  	_ =	shalt  }
0x66: {  	_ =	shalt  }
0x67: {  	_ =	shalt  }
0x68: {  	_ =	shalt  }
0x69: {  	_ =	shalt  }
0x6a: {  	_ =	shalt  }
0x6b: {  	_ =	shalt  }
0x6c: {  	_ =	shalt  }
0x6d: {  	_ =	shalt  }
0x6e: {  	_ =	shalt  }
0x6f: {  	_ =	shalt  }
0x70: {  	_ =	shalt  }
0x71: {  	_ =	shalt  }
0x72: {  	_ =	shalt  }
0x73: {  	_ =	shalt  }
0x74: {  	_ =	shalt  }
0x75: {  	_ =	shalt  }
0x76: {  	_ =	shalt  }
0x77: {  	_ =	shalt  }
0x78: {  	_ =	shalt  }
0x79: {  	_ =	shalt  }
0x7a: {  	_ =	shalt  }
0x7b: {  	_ =	shalt  }
0x7c: {  	_ =	shalt  }
0x7d: {  	_ =	shalt  }
0x7e: {  	_ =	shalt  }
0x7f: {  	_ =	shalt  }
0x80: {  	_ =	shalt  }
0x81: {  	_ =	shalt  }
0x82: {  	_ =	shalt  }
0x83: {  	_ =	shalt  }
0x84: {  	_ =	shalt  }
0x85: {  	_ =	shalt  }
0x86: {  	_ =	shalt  }
0x87: {  	_ =	shalt  }
.Lfunc_end0:
.L_simem_size_0:
called_computation.1_lowered:
.L_overlay_start_0:
0x88: {  	s2 =	sld [smem:$0x3FD9]  }
0x89: {  	s3 =	sld [smem:$0x3FFE];
	_ =	sdelay $0x1  }
0x8a: {  	s1 =	srdreg.scid  }
0x8b: {  	s0 =	sand.u32 $0x1, s1  }
0x8c: {  	s17 =	sshll.u32 s0, $0xA;
	s2 =	sadd.s32 s3, s2  }
0x8d: {  	s2 =	sadd.s32 s2, s17  }
0x8e: {  	[smem:$0x3FC6] =	sst s2  }
0x8f: {  	_ = 	snop  }
0x90: {  	s2 =	sld [smem:$0x3FD0];
	(tm) =	ssettm $0x1  }
0x91: {  	s18 =	sld [smem:$0x3FFB];
	_ =	sdelay $0x3  }
0x92: {  	_ =	strace s18  }
0x93: {  	s3 =	sld [smem:$0x3FFC];
	_ =	sdelay $0x3  }
0x94: {  	_ =	strace s3  }
0x95: {  	s3 =	sld [smem:$0x3FFD];
	_ =	sdelay $0x3  }
0x96: {  	_ =	strace s3  }
0x97: {  	_ =	strace $0x8FFFFFFF  }
0x98: {  	s19 =	sld [smem:$0x3FDB];
	_ =	sdelay $0x1  }
0x99: {  	s4 =	simm.s32 $_scs_section_size  }
0x9a: {  	s5 =	simm.s32 $_size__tile_overlayer_lowered;
	s6 =	simm.s32 $_tile_overlayer_lowered  }
0x9b: {  	s22 =	simm.s32 $0x1BFF;
	s21 =	sshll.u32 s6, $0x1;
	s3 =	sadd.s32 s4, s19  }
0x9c: {  	s7 =	simm.s32 $0x0;
	s20 =	sshll.u32 s5, $0x1;
	s5 =	sadd.s32 s21, s3  }
0x9d: {  	[timem:s7], [sflag:s22] =	dma.local [hbm:s5], s20  }
0x9e: {  	_ =	swait.ge [sflag:s22], s20  }
0x9f: {  	s4 =	ssub.s32 $0x0, s20;
	[sflag:s22] =	ssyncset.done $0x0  }
0xa0: {  	[sflag:s22] =	ssyncadd.s32 s4;
	_ =	sdelay $0x1  }
0xa1: {  	s23 =	simm.s32 $0x1B8B  }
0xa2: {  	_ =	swait.ge [sflag:s23], $0x1  }
0xa3: {  	[sflag:s23] =	ssyncset.done $0x0  }
0xa4: {  	s25 =	simm.s32 $0x1B8E;
	s24 =	sld [smem:$0x3FFE];
	[sflag:s23] =	ssyncadd.s32 $0xFFFFFFFF  }
0xa5: {  	s26 =	simm.s32 $execute0_lowered;
	[smem:$0x3FD2] =	sst s25  }
0xa6: {  	s5 =	sshll.u32 s26, $0x1;
	_ =	strace $0x80000046;
	[dreg:$0x1] =	wrdreg $0xFFFFFFFF  }
0xa7: {  	s28 =	simm.s32 $_size_execute0_lowered;
	s3 =	sadd.s32 s3, s5;
	[dreg:$0x0] =	wrdreg $0x0  }
0xa8: {  	s5 =	sshll.u32 s28, $0x1;
	[dreg:$0x2] =	wrdreg s3  }
0xa9: {  	[dreg:$0x3] =	wrdreg s5  }
0xaa: {  	[dreg:$0x4] =	wrdreg $0xC0  }
0xab: {  	_ =	task [dreg:s7], $0x5FFFF  }
0xac: {  	[dreg:$0x1] =	wrdreg $0xFFFFFFFF  }
0xad: {  	[dreg:$0x0] =	wrdreg $0x60  }
0xae: {  	[dreg:$0x2] =	wrdreg s2  }
0xaf: {  	[dreg:$0x3] =	wrdreg s24  }
0xb0: {  	[dreg:$0x4] =	wrdreg $0x9  }
0xb1: {  	_ =	task.clear_ibuf [dreg:s7], $0x5FFFF;
	_ =	strace $0x90000046  }
0xb2: {  	s29 =	simm.s32 $0x9;
	_ =	strace $0x80000048  }
0xb3: {  	_ =	swait.ge [sflag:s29], $0x1  }
0xb4: {  	[sflag:s29] =	ssyncadd.s32 $0xFFFFFFFF  }
0xb5: {  	_ =	strace $0x90000048  }
0xb6: {  	_ =	sfence  }
0xb7: {  	s30 =	sld [smem:$0x0];
	_ =	sdelay $0x2  }
0xb8: {  	s31 =	sshll.u32 s1, $0xD;
	s1 =	sshrl.u32 s1, $0x2  }
0xb9: {  	s3 =	sand.u32 $0x4000, s31;
	s1 =	sadd.s32 s1, s30  }
0xba: {  	s0 =	sor.u32 s3, s0;
	s1 =	sshll.u32 s1, $0x11  }
0xbb: {  	s0 =	sor.u32 s1, s0  }
0xbc: {  	s0 =	sadd.s32 $0x8F2B, s0  }
0xbd: {  	[sflag:s0] =	ssyncadd.remote.s32 $0x1  }
0xbe: {  	_ =	sfence.sel $0xFFFF  }
0xbf: {  	[dreg:$0x0] =	wrdreg $0xFFFFFFFF;
	(pc) =	sbr.abs _section_cstart, $3  }
0xc0: {  	[dreg:$0x1] =	wrdreg $0xFFFFFFFF  }
0xc1: {  	_ =	task.clear_ibuf [dreg:s7], $0x2FFFF;
	_ =	strace $0x9FFFFFFF  }
0xc2: {  	(tm) =	ssettm $0x7FFFFFFF  }
0xc3: {  	_ =	shalt  }
tec
execute0_lowered:
.L_overlay_start_1:
0x0: {  	(tag) =	ssettag $0x1  }
0x1: {  	s0 =	rddreg [dreg:$0x0];
	s1 =	srdreg.scid  }
0x2: {  	s4 =	rddreg [dreg:$0x1];
	s7 =	stileid.u32  }
0x3: {  	s2 =	simm.s32 $0x0;
	s13 =	simm.s32 $0x38;
	s14 =	simm.s32 $0x70  }
0x4: {  	s15 =	simm.s32 $0xA8;
	s16 =	simm.s32 $0xE0;
	s17 =	simm.s32 $0x118  }
0x5: {  	s18 =	simm.s32 $0x150;
	s19 =	simm.s32 $0x188;
	s20 =	simm.s32 $0x1F8  }
0x6: {  	s21 =	simm.s32 $0x230;
	s22 =	simm.s32 $0x268;
	s23 =	simm.s32 $0x2A0  }
0x7: {  	s24 =	simm.s32 $0x2D8;
	s25 =	simm.s32 $0x310;
	[smem:$0x7FF] =	sst s2  }
0x8: {  	s26 =	simm.s32 $0x348;
	_ =	strace $0x80000047;
	[dreg:$0x4] =	wrdreg s13  }
0x9: {  	s28 =	simm.s32 $0x9980;
	s29 =	simm.s32 $0xA600;
	[dreg:$0x5] =	wrdreg s14  }
0xa: {  	s30 =	simm.s32 $0xB280;
	s31 =	simm.s32 $0xBF00;
	[dreg:$0x6] =	wrdreg s15  }
0xb: {  	s1 =	sand.u32 $0x1, s1;
	s6 =	smul.u32 $0xE0000, s7;
	[dreg:$0x7] =	wrdreg s16  }
0xc: {  	s3 =	sshll.u32 s7, $0xA;
	s7 =	smul.u32 $0x1C00, s7;
	[dreg:$0x8] =	wrdreg s17  }
0xd: {  	s5 =	sshll.u32 s1, $0x9;
	s9 =	smul.u32 $0xE00, s1;
	[dreg:$0x9] =	wrdreg s18  }
0xe: {  	s8 =	ssub.s32 $0x2, s1;
	s1 =	smul.u32 $0x70000, s1;
	[dreg:$0xa] =	wrdreg s19  }
0xf: {  	s13 =	simm.s32 $0x1C80;
	s14 =	simm.s32 $0x2900;
	[dreg:$0xb] =	wrdreg s20  }
0x10: {  	s15 =	simm.s32 $0x3580;
	s16 =	simm.s32 $0x4200;
	[dreg:$0xc] =	wrdreg s21  }
0x11: {  	s17 =	simm.s32 $0x4E80;
	s18 =	simm.s32 $0x5B00;
	[dreg:$0xd] =	wrdreg s22  }
0x12: {  	s19 =	simm.s32 $0x3;
	s20 =	simm.s32 $0x40;
	[dreg:$0xe] =	wrdreg s23  }
0x13: {  	s21 =	simm.s32 $0x80;
	[dreg:$0xf] =	wrdreg s24;
	s22 =	simm.s32 $0x2  }
0x14: {  	[dreg:$0x10] =	wrdreg s25;
	s23 =	simm.s32 $0x6780;
	s24 =	simm.s32 $0x7400  }
0x15: {  	[dreg:$0x11] =	wrdreg s26;
	s25 =	simm.s32 $0x8080;
	s3 =	sor.u32 s5, s3  }
0x16: {  	s26 =	simm.s32 $0x8D00;
	s10 =	sshrl.u32 s8, $0x1;
	s5 =	smul.u32 $0x7, s3  }
0x17: {  	s3 =	sadd.s32 $0xF42E00, s4;
	s4 =	sadd.s32 s6, s4;
	s6 =	ssub.s32 s8, s10  }
0x18: {  	s8 =	simm.s32 $0x1C0;
	s10 =	simm.s32 $0x32;
	s11 =	smax.u32 s6, $0x1  }
0x19: {  	s1 =	sadd.s32 s1, s4;
	s5 =	sadd.s32 s0, s5;
	[dreg:$0x14] =	wrdreg s11  }
0x1a: {  	s4 =	simm.s32 $0x0;
	s12 =	sadd.s32 $0xA00, s1;
	[dreg:$0x12] =	wrdreg s5  }
0x1b: {  	s0 =	sadd.s32 s7, s0;
	s5 =	sadd.s32 $0x38, s5;
	[dreg:$0x15] =	wrdreg s12  }
0x1c: {  	s11 =	simm.s32 $0x380;
	s0 =	sadd.s32 s9, s0;
	[dreg:$0x13] =	wrdreg s5  }
0x1d: {  	s9 =	simm.s32 $0x1;
	s12 =	simm.s32 $0x1000;
	[dreg:$0x3] =	wrdreg s0  }
.LBB2_1:
0x1e: {  	[dreg:$0x16] =	wrdreg s4  }
0x1f: {  	s0 =	rddreg [dreg:$0x12]  }
0x20: {  	[tilespmem:s2], [sflag:$0x1] =	stream.linear.gather [hbm4b:s0+s2], $0x1C0, $0x38;
	[tilespmem:$0xCB80] =	vst v63  }
0x21: {  	s1 =	rddreg [dreg:$0x13]  }
0x22: {  	[tilespmem:s8], [sflag:$0x2] =	stream.linear.gather [hbm4b:s1+s2], $0x1C0, $0x38;
	[tilespmem:$0xCB80] =	vst v63  }
0x23: {  	_ =	swait.ge [sflag:s9], $0x1C0  }
0x24: {  	p0 =	por $0x1, $0x1;
	[sflag:s9] =	ssyncset.done $0x0  }
0x25: {  	s0 =	simm.s32 @!p0 $0x4;
	[sflag:s9] =	ssyncadd.s32 $0xFFFFFE40  }
0x26: {  	_ =	swait.ge @!p0 [sflag:s0], $0x6400  }
0x27: {  	[sflag:s0] =	ssyncset.done @!p0 $0x0  }
0x28: {  	[sflag:s0] =	ssyncadd.s32 @!p0 $0xFFFF9C00  }
0x29: {  	[tilespmem:s11], [sflag:$0x3] =	stream.indirect.gather [hbm4b:s3+s10], $0x40, s2, s10, $0xb8;
	[tilespmem:$0xCB80] =	vst v63  }
0x2a: {  	s4 =	rddreg [dreg:$0x4]  }
0x2b: {  	[tilespmem:s12], [sflag:$0x3] =	stream.indirect.gather [hbm4b:s3+s10], $0x40, s4, s10, $0xb8;
	[tilespmem:$0xCB80] =	vst v63  }
0x2c: {  	s1 =	rddreg [dreg:$0x5]  }
0x2d: {  	[tilespmem:s13], [sflag:$0x3] =	stream.indirect.gather [hbm4b:s3+s10], $0x40, s1, s10, $0xb8;
	[tilespmem:$0xCB80] =	vst v63  }
0x2e: {  	s5 =	rddreg [dreg:$0x6]  }
0x2f: {  	[tilespmem:s14], [sflag:$0x3] =	stream.indirect.gather [hbm4b:s3+s10], $0x40, s5, s10, $0xb8;
	[tilespmem:$0xCB80] =	vst v63  }
0x30: {  	s6 =	rddreg [dreg:$0x7]  }
0x31: {  	[tilespmem:s15], [sflag:$0x3] =	stream.indirect.gather [hbm4b:s3+s10], $0x40, s6, s10, $0xb8;
	[tilespmem:$0xCB80] =	vst v63  }
0x32: {  	s7 =	rddreg [dreg:$0x8]  }
0x33: {  	[tilespmem:s16], [sflag:$0x3] =	stream.indirect.gather [hbm4b:s3+s10], $0x40, s7, s10, $0xb8;
	[tilespmem:$0xCB80] =	vst v63  }
0x34: {  	s4 =	rddreg [dreg:$0x9]  }
0x35: {  	[tilespmem:s17], [sflag:$0x3] =	stream.indirect.gather [hbm4b:s3+s10], $0x40, s4, s10, $0xb8;
	[tilespmem:$0xCB80] =	vst v63  }
0x36: {  	s5 =	rddreg [dreg:$0xa]  }
0x37: {  	[tilespmem:s18], [sflag:$0x3] =	stream.indirect.gather [hbm4b:s3+s10], $0x40, s5, s10, $0xb8;
	[tilespmem:$0xCB80] =	vst v63  }
0x38: {  	_ =	swait.ge [sflag:s19], $0xC80  }
0x39: {  	[sflag:s19] =	ssyncset.done $0x0  }
0x3a: {  	[sflag:s19] =	ssyncadd.s32 $0xFFFFF380  }
0x3b: {  	_ =	swait.ge [sflag:s19], $0xC80  }
0x3c: {  	[sflag:s19] =	ssyncset.done $0x0  }
0x3d: {  	[sflag:s19] =	ssyncadd.s32 $0xFFFFF380  }
0x3e: {  	_ =	swait.ge [sflag:s19], $0xC80  }
0x3f: {  	[sflag:s19] =	ssyncset.done $0x0  }
0x40: {  	[sflag:s19] =	ssyncadd.s32 $0xFFFFF380  }
0x41: {  	_ =	swait.ge [sflag:s19], $0xC80  }
0x42: {  	[sflag:s19] =	ssyncset.done $0x0  }
0x43: {  	[sflag:s19] =	ssyncadd.s32 $0xFFFFF380  }
0x44: {  	_ =	swait.ge [sflag:s19], $0xC80  }
0x45: {  	[sflag:s19] =	ssyncset.done $0x0  }
0x46: {  	[sflag:s19] =	ssyncadd.s32 $0xFFFFF380  }
0x47: {  	_ =	swait.ge [sflag:s19], $0xC80  }
0x48: {  	[sflag:s19] =	ssyncset.done $0x0  }
0x49: {  	[sflag:s19] =	ssyncadd.s32 $0xFFFFF380  }
0x4a: {  	_ =	swait.ge [sflag:s19], $0xC80  }
0x4b: {  	[sflag:s19] =	ssyncset.done $0x0  }
0x4c: {  	[sflag:s19] =	ssyncadd.s32 $0xFFFFF380  }
0x4d: {  	_ =	swait.ge [sflag:s19], $0xC80  }
0x4e: {  	p1 =	por $0x0, $0x0;
	s0 =	rddreg [dreg:$0x3]  }
0x4f: {  	[sflag:s19] =	ssyncset.done $0x0;
	s0 =	sadd.s32 @!p1 $0x0, s0  }
0x50: {  	s1 =	simm.s32 @!p1 $0x0;
	[sflag:s19] =	ssyncadd.s32 $0xFFFFF380;
	s4 =	sadd.s32 @!p1 $0x70, s0  }
0x51: {  	[tilespmem:s1], [sflag:$0x1] =	stream.linear.gather @!p1 [hbm4b:s4+s1], $0x1C0, $0x38;
	[tilespmem:$0xCB80] =	vst v63  }
0x52: {  	s5 =	rddreg [dreg:$0x15]  }
0x53: {  	[hbm4b:s5+s20] =	stream.strided.scatter [tilespmem:s11], [sflag:$0x4], $0xC80, s21, s20, $0x38;
	[tilespmem:$0xCB80] =	vst v63  }
0x54: {  	s6 =	sadd.s32 $0x380, s5  }
0x55: {  	[hbm4b:s6+s20] =	stream.strided.scatter [tilespmem:s12], [sflag:$0x4], $0xC80, s21, s20, $0x38;
	[tilespmem:$0xCB80] =	vst v63  }
0x56: {  	s7 =	sadd.s32 $0x700, s5  }
0x57: {  	[hbm4b:s7+s20] =	stream.strided.scatter [tilespmem:s13], [sflag:$0x4], $0xC80, s21, s20, $0x38;
	[tilespmem:$0xCB80] =	vst v63  }
0x58: {  	s6 =	sadd.s32 $0xA80, s5  }
0x59: {  	[hbm4b:s6+s20] =	stream.strided.scatter [tilespmem:s14], [sflag:$0x4], $0xC80, s21, s20, $0x38;
	[tilespmem:$0xCB80] =	vst v63  }
0x5a: {  	s7 =	sadd.s32 $0xE00, s5  }
0x5b: {  	[hbm4b:s7+s20] =	stream.strided.scatter [tilespmem:s15], [sflag:$0x4], $0xC80, s21, s20, $0x38;
	[tilespmem:$0xCB80] =	vst v63  }
0x5c: {  	s6 =	sadd.s32 $0x1180, s5  }
0x5d: {  	[hbm4b:s6+s20] =	stream.strided.scatter [tilespmem:s16], [sflag:$0x4], $0xC80, s21, s20, $0x38;
	[tilespmem:$0xCB80] =	vst v63  }
0x5e: {  	s7 =	sadd.s32 $0x1500, s5  }
0x5f: {  	[hbm4b:s7+s20] =	stream.strided.scatter [tilespmem:s17], [sflag:$0x4], $0xC80, s21, s20, $0x38;
	[tilespmem:$0xCB80] =	vst v63  }
0x60: {  	s6 =	sadd.s32 $0x1880, s5  }
0x61: {  	[hbm4b:s6+s20] =	stream.strided.scatter [tilespmem:s18], [sflag:$0x4], $0xC80, s21, s20, $0x38;
	[tilespmem:$0xCB80] =	vst v63  }
0x62: {  	_ =	swait.ge [sflag:s22], $0x1C0  }
0x63: {  	[sflag:s22] =	ssyncset.done $0x0  }
0x64: {  	s4 =	simm.s32 @!p0 $0x5;
	[sflag:s22] =	ssyncadd.s32 $0xFFFFFE40  }
0x65: {  	_ =	swait.ge @!p0 [sflag:s4], $0x6400  }
0x66: {  	[sflag:s4] =	ssyncset.done @!p0 $0x0  }
0x67: {  	[sflag:s4] =	ssyncadd.s32 @!p0 $0xFFFF9C00  }
0x68: {  	[tilespmem:s23], [sflag:$0x3] =	stream.indirect.gather [hbm4b:s3+s10], $0x40, s8, s10, $0xb8;
	[tilespmem:$0xCB80] =	vst v63  }
0x69: {  	s7 =	rddreg [dreg:$0xb]  }
0x6a: {  	[tilespmem:s24], [sflag:$0x3] =	stream.indirect.gather [hbm4b:s3+s10], $0x40, s7, s10, $0xb8;
	[tilespmem:$0xCB80] =	vst v63  }
0x6b: {  	s6 =	rddreg [dreg:$0xc]  }
0x6c: {  	[tilespmem:s25], [sflag:$0x3] =	stream.indirect.gather [hbm4b:s3+s10], $0x40, s6, s10, $0xb8;
	[tilespmem:$0xCB80] =	vst v63  }
0x6d: {  	s7 =	rddreg [dreg:$0xd]  }
0x6e: {  	[tilespmem:s26], [sflag:$0x3] =	stream.indirect.gather [hbm4b:s3+s10], $0x40, s7, s10, $0xb8;
	[tilespmem:$0xCB80] =	vst v63  }
0x6f: {  	s6 =	rddreg [dreg:$0xe]  }
0x70: {  	[tilespmem:s28], [sflag:$0x3] =	stream.indirect.gather [hbm4b:s3+s10], $0x40, s6, s10, $0xb8;
	[tilespmem:$0xCB80] =	vst v63  }
0x71: {  	s7 =	rddreg [dreg:$0xf]  }
0x72: {  	[tilespmem:s29], [sflag:$0x3] =	stream.indirect.gather [hbm4b:s3+s10], $0x40, s7, s10, $0xb8;
	[tilespmem:$0xCB80] =	vst v63  }
0x73: {  	s6 =	rddreg [dreg:$0x10]  }
0x74: {  	[tilespmem:s30], [sflag:$0x3] =	stream.indirect.gather [hbm4b:s3+s10], $0x40, s6, s10, $0xb8;
	[tilespmem:$0xCB80] =	vst v63  }
0x75: {  	s7 =	rddreg [dreg:$0x11]  }
0x76: {  	[tilespmem:s31], [sflag:$0x3] =	stream.indirect.gather [hbm4b:s3+s10], $0x40, s7, s10, $0xb8;
	[tilespmem:$0xCB80] =	vst v63  }
0x77: {  	_ =	swait.ge [sflag:s19], $0xC80  }
0x78: {  	[sflag:s19] =	ssyncset.done $0x0  }
0x79: {  	[sflag:s19] =	ssyncadd.s32 $0xFFFFF380  }
0x7a: {  	_ =	swait.ge [sflag:s19], $0xC80  }
0x7b: {  	[sflag:s19] =	ssyncset.done $0x0  }
0x7c: {  	[sflag:s19] =	ssyncadd.s32 $0xFFFFF380  }
0x7d: {  	_ =	swait.ge [sflag:s19], $0xC80  }
0x7e: {  	[sflag:s19] =	ssyncset.done $0x0  }
0x7f: {  	[sflag:s19] =	ssyncadd.s32 $0xFFFFF380  }
0x80: {  	_ =	swait.ge [sflag:s19], $0xC80  }
0x81: {  	[sflag:s19] =	ssyncset.done $0x0  }
0x82: {  	[sflag:s19] =	ssyncadd.s32 $0xFFFFF380  }
0x83: {  	_ =	swait.ge [sflag:s19], $0xC80  }
0x84: {  	[sflag:s19] =	ssyncset.done $0x0  }
0x85: {  	[sflag:s19] =	ssyncadd.s32 $0xFFFFF380  }
0x86: {  	_ =	swait.ge [sflag:s19], $0xC80  }
0x87: {  	[sflag:s19] =	ssyncset.done $0x0  }
0x88: {  	[sflag:s19] =	ssyncadd.s32 $0xFFFFF380  }
0x89: {  	_ =	swait.ge [sflag:s19], $0xC80  }
0x8a: {  	[sflag:s19] =	ssyncset.done $0x0  }
0x8b: {  	[sflag:s19] =	ssyncadd.s32 $0xFFFFF380  }
0x8c: {  	_ =	swait.ge [sflag:s19], $0xC80  }
0x8d: {  	[sflag:s19] =	ssyncset.done $0x0  }
0x8e: {  	s0 =	sadd.s32 @!p1 $0xA8, s0;
	s4 =	simm.s32 @!p1 $0x1C0;
	[sflag:s19] =	ssyncadd.s32 $0xFFFFF380  }
0x8f: {  	[tilespmem:s4], [sflag:$0x2] =	stream.linear.gather @!p1 [hbm4b:s0+s1], $0x1C0, $0x38;
	[tilespmem:$0xCB80] =	vst v63  }
0x90: {  	s4 =	sadd.s32 $0x1C00, s5  }
0x91: {  	[hbm4b:s4+s20] =	stream.strided.scatter [tilespmem:s23], [sflag:$0x5], $0xC80, s21, s20, $0x38;
	[tilespmem:$0xCB80] =	vst v63  }
0x92: {  	s6 =	sadd.s32 $0x1F80, s5  }
0x93: {  	[hbm4b:s6+s20] =	stream.strided.scatter [tilespmem:s24], [sflag:$0x5], $0xC80, s21, s20, $0x38;
	[tilespmem:$0xCB80] =	vst v63  }
0x94: {  	s7 =	sadd.s32 $0x2300, s5  }
0x95: {  	[hbm4b:s7+s20] =	stream.strided.scatter [tilespmem:s25], [sflag:$0x5], $0xC80, s21, s20, $0x38;
	[tilespmem:$0xCB80] =	vst v63  }
0x96: {  	s1 =	sadd.s32 $0x2680, s5  }
0x97: {  	[hbm4b:s1+s20] =	stream.strided.scatter [tilespmem:s26], [sflag:$0x5], $0xC80, s21, s20, $0x38;
	[tilespmem:$0xCB80] =	vst v63  }
0x98: {  	s4 =	sadd.s32 $0x2A00, s5  }
0x99: {  	[hbm4b:s4+s20] =	stream.strided.scatter [tilespmem:s28], [sflag:$0x5], $0xC80, s21, s20, $0x38;
	[tilespmem:$0xCB80] =	vst v63  }
0x9a: {  	s0 =	sadd.s32 $0x3480, s5;
	s6 =	sadd.s32 $0x2D80, s5  }
0x9b: {  	[hbm4b:s6+s20] =	stream.strided.scatter [tilespmem:s29], [sflag:$0x5], $0xC80, s21, s20, $0x38;
	[tilespmem:$0xCB80] =	vst v63  }
0x9c: {  	s7 =	sadd.s32 $0x3100, s5;
	s4 =	sadd.s32 $0x3800, s5;
	s6 =	simm.s32 $0x70  }
0x9d: {  	[hbm4b:s7+s20] =	stream.strided.scatter [tilespmem:s30], [sflag:$0x5], $0xC80, s21, s20, $0x38;
	[tilespmem:$0xCB80] =	vst v63  }
.LBB2_2:
0x9e: {  	[hbm4b:s0+s20] =	stream.strided.scatter [tilespmem:s31], [sflag:$0x5], $0xC80, s21, s20, $0x38;
	[tilespmem:$0xCB80] =	vst v63  }
0x9f: {  	s0 =	smov.u32 s6;
	_ =	swait.ge [sflag:s9], $0x1C0  }
0xa0: {  	p1 =	seq.s32 s0, $0x0;
	[sflag:s9] =	ssyncset.done $0x0  }
0xa1: {  	s1 =	simm.s32 @!p1 $0x4;
	[sflag:s9] =	ssyncadd.s32 $0xFFFFFE40  }
0xa2: {  	_ =	swait.ge @!p1 [sflag:s1], $0x6400  }
0xa3: {  	[sflag:s1] =	ssyncset.done @!p1 $0x0  }
0xa4: {  	[sflag:s1] =	ssyncadd.s32 @!p1 $0xFFFF9C00  }
0xa5: {  	[tilespmem:s11], [sflag:$0x3] =	stream.indirect.gather [hbm4b:s3+s10], $0x40, s2, s10, $0xb8;
	[tilespmem:$0xCB80] =	vst v63  }
0xa6: {  	s7 =	rddreg [dreg:$0x4]  }
0xa7: {  	[tilespmem:s12], [sflag:$0x3] =	stream.indirect.gather [hbm4b:s3+s10], $0x40, s7, s10, $0xb8;
	[tilespmem:$0xCB80] =	vst v63  }
0xa8: {  	s5 =	rddreg [dreg:$0x5]  }
0xa9: {  	[tilespmem:s13], [sflag:$0x3] =	stream.indirect.gather [hbm4b:s3+s10], $0x40, s5, s10, $0xb8;
	[tilespmem:$0xCB80] =	vst v63  }
0xaa: {  	s7 =	rddreg [dreg:$0x6]  }
0xab: {  	[tilespmem:s14], [sflag:$0x3] =	stream.indirect.gather [hbm4b:s3+s10], $0x40, s7, s10, $0xb8;
	[tilespmem:$0xCB80] =	vst v63  }
0xac: {  	s5 =	rddreg [dreg:$0x7]  }
0xad: {  	[tilespmem:s15], [sflag:$0x3] =	stream.indirect.gather [hbm4b:s3+s10], $0x40, s5, s10, $0xb8;
	[tilespmem:$0xCB80] =	vst v63  }
0xae: {  	s7 =	rddreg [dreg:$0x8]  }
0xaf: {  	[tilespmem:s16], [sflag:$0x3] =	stream.indirect.gather [hbm4b:s3+s10], $0x40, s7, s10, $0xb8;
	[tilespmem:$0xCB80] =	vst v63  }
0xb0: {  	s5 =	rddreg [dreg:$0x9]  }
0xb1: {  	[tilespmem:s17], [sflag:$0x3] =	stream.indirect.gather [hbm4b:s3+s10], $0x40, s5, s10, $0xb8;
	[tilespmem:$0xCB80] =	vst v63  }
0xb2: {  	s7 =	rddreg [dreg:$0xa]  }
0xb3: {  	[tilespmem:s18], [sflag:$0x3] =	stream.indirect.gather [hbm4b:s3+s10], $0x40, s7, s10, $0xb8;
	[tilespmem:$0xCB80] =	vst v63  }
0xb4: {  	_ =	swait.ge [sflag:s19], $0xC80  }
0xb5: {  	[sflag:s19] =	ssyncset.done $0x0  }
0xb6: {  	[sflag:s19] =	ssyncadd.s32 $0xFFFFF380  }
0xb7: {  	_ =	swait.ge [sflag:s19], $0xC80  }
0xb8: {  	[sflag:s19] =	ssyncset.done $0x0  }
0xb9: {  	[sflag:s19] =	ssyncadd.s32 $0xFFFFF380  }
0xba: {  	_ =	swait.ge [sflag:s19], $0xC80  }
0xbb: {  	[sflag:s19] =	ssyncset.done $0x0  }
0xbc: {  	[sflag:s19] =	ssyncadd.s32 $0xFFFFF380  }
0xbd: {  	_ =	swait.ge [sflag:s19], $0xC80  }
0xbe: {  	[sflag:s19] =	ssyncset.done $0x0  }
0xbf: {  	[sflag:s19] =	ssyncadd.s32 $0xFFFFF380  }
0xc0: {  	_ =	swait.ge [sflag:s19], $0xC80  }
0xc1: {  	[sflag:s19] =	ssyncset.done $0x0  }
0xc2: {  	[sflag:s19] =	ssyncadd.s32 $0xFFFFF380  }
0xc3: {  	_ =	swait.ge [sflag:s19], $0xC80  }
0xc4: {  	[sflag:s19] =	ssyncset.done $0x0  }
0xc5: {  	[sflag:s19] =	ssyncadd.s32 $0xFFFFF380  }
0xc6: {  	_ =	swait.ge [sflag:s19], $0xC80  }
0xc7: {  	[sflag:s19] =	ssyncset.done $0x0  }
0xc8: {  	[sflag:s19] =	ssyncadd.s32 $0xFFFFF380  }
0xc9: {  	_ =	swait.ge [sflag:s19], $0xC80  }
0xca: {  	p2 =	seq.s32 s0, $0xD90;
	s1 =	rddreg [dreg:$0x3]  }
0xcb: {  	[sflag:s19] =	ssyncset.done $0x0;
	s1 =	sadd.s32 @!p2 s0, s1  }
0xcc: {  	[sflag:s19] =	ssyncadd.s32 $0xFFFFF380;
	s0 =	simm.s32 @!p2 $0x0;
	s5 =	sadd.s32 @!p2 $0x70, s1  }
0xcd: {  	[tilespmem:s0], [sflag:$0x1] =	stream.linear.gather @!p2 [hbm4b:s5+s0], $0x1C0, $0x38;
	[tilespmem:$0xCB80] =	vst v63  }
0xce: {  	_ = 	snop  }
0xcf: {  	[hbm4b:s4+s20] =	stream.strided.scatter [tilespmem:s11], [sflag:$0x4], $0xC80, s21, s20, $0x38;
	[tilespmem:$0xCB80] =	vst v63  }
0xd0: {  	s7 =	sadd.s32 $0x380, s4  }
0xd1: {  	[hbm4b:s7+s20] =	stream.strided.scatter [tilespmem:s12], [sflag:$0x4], $0xC80, s21, s20, $0x38;
	[tilespmem:$0xCB80] =	vst v63  }
0xd2: {  	s7 =	sadd.s32 $0x700, s4  }
0xd3: {  	[hbm4b:s7+s20] =	stream.strided.scatter [tilespmem:s13], [sflag:$0x4], $0xC80, s21, s20, $0x38;
	[tilespmem:$0xCB80] =	vst v63  }
0xd4: {  	s7 =	sadd.s32 $0xA80, s4  }
0xd5: {  	[hbm4b:s7+s20] =	stream.strided.scatter [tilespmem:s14], [sflag:$0x4], $0xC80, s21, s20, $0x38;
	[tilespmem:$0xCB80] =	vst v63  }
0xd6: {  	s7 =	sadd.s32 $0xE00, s4  }
0xd7: {  	[hbm4b:s7+s20] =	stream.strided.scatter [tilespmem:s15], [sflag:$0x4], $0xC80, s21, s20, $0x38;
	[tilespmem:$0xCB80] =	vst v63  }
0xd8: {  	s7 =	sadd.s32 $0x1180, s4  }
0xd9: {  	[hbm4b:s7+s20] =	stream.strided.scatter [tilespmem:s16], [sflag:$0x4], $0xC80, s21, s20, $0x38;
	[tilespmem:$0xCB80] =	vst v63  }
0xda: {  	s7 =	sadd.s32 $0x1500, s4  }
0xdb: {  	[hbm4b:s7+s20] =	stream.strided.scatter [tilespmem:s17], [sflag:$0x4], $0xC80, s21, s20, $0x38;
	[tilespmem:$0xCB80] =	vst v63  }
0xdc: {  	s7 =	sadd.s32 $0x1880, s4  }
0xdd: {  	[hbm4b:s7+s20] =	stream.strided.scatter [tilespmem:s18], [sflag:$0x4], $0xC80, s21, s20, $0x38;
	[tilespmem:$0xCB80] =	vst v63  }
0xde: {  	_ =	swait.ge [sflag:s22], $0x1C0  }
0xdf: {  	[sflag:s22] =	ssyncset.done $0x0  }
0xe0: {  	s5 =	simm.s32 @!p1 $0x5;
	[sflag:s22] =	ssyncadd.s32 $0xFFFFFE40  }
0xe1: {  	_ =	swait.ge @!p1 [sflag:s5], $0x6400  }
0xe2: {  	[sflag:s5] =	ssyncset.done @!p1 $0x0  }
0xe3: {  	[sflag:s5] =	ssyncadd.s32 @!p1 $0xFFFF9C00  }
0xe4: {  	[tilespmem:s23], [sflag:$0x3] =	stream.indirect.gather [hbm4b:s3+s10], $0x40, s8, s10, $0xb8;
	[tilespmem:$0xCB80] =	vst v63  }
0xe5: {  	s5 =	rddreg [dreg:$0xb]  }
0xe6: {  	[tilespmem:s24], [sflag:$0x3] =	stream.indirect.gather [hbm4b:s3+s10], $0x40, s5, s10, $0xb8;
	[tilespmem:$0xCB80] =	vst v63  }
0xe7: {  	s7 =	rddreg [dreg:$0xc]  }
0xe8: {  	[tilespmem:s25], [sflag:$0x3] =	stream.indirect.gather [hbm4b:s3+s10], $0x40, s7, s10, $0xb8;
	[tilespmem:$0xCB80] =	vst v63  }
0xe9: {  	s5 =	rddreg [dreg:$0xd]  }
0xea: {  	[tilespmem:s26], [sflag:$0x3] =	stream.indirect.gather [hbm4b:s3+s10], $0x40, s5, s10, $0xb8;
	[tilespmem:$0xCB80] =	vst v63  }
0xeb: {  	s7 =	rddreg [dreg:$0xe]  }
0xec: {  	[tilespmem:s28], [sflag:$0x3] =	stream.indirect.gather [hbm4b:s3+s10], $0x40, s7, s10, $0xb8;
	[tilespmem:$0xCB80] =	vst v63  }
0xed: {  	s5 =	rddreg [dreg:$0xf]  }
0xee: {  	[tilespmem:s29], [sflag:$0x3] =	stream.indirect.gather [hbm4b:s3+s10], $0x40, s5, s10, $0xb8;
	[tilespmem:$0xCB80] =	vst v63  }
0xef: {  	s7 =	rddreg [dreg:$0x10]  }
0xf0: {  	[tilespmem:s30], [sflag:$0x3] =	stream.indirect.gather [hbm4b:s3+s10], $0x40, s7, s10, $0xb8;
	[tilespmem:$0xCB80] =	vst v63  }
0xf1: {  	s5 =	rddreg [dreg:$0x11]  }
0xf2: {  	[tilespmem:s31], [sflag:$0x3] =	stream.indirect.gather [hbm4b:s3+s10], $0x40, s5, s10, $0xb8;
	[tilespmem:$0xCB80] =	vst v63  }
0xf3: {  	_ =	swait.ge [sflag:s19], $0xC80  }
0xf4: {  	[sflag:s19] =	ssyncset.done $0x0  }
0xf5: {  	[sflag:s19] =	ssyncadd.s32 $0xFFFFF380  }
0xf6: {  	_ =	swait.ge [sflag:s19], $0xC80  }
0xf7: {  	[sflag:s19] =	ssyncset.done $0x0  }
0xf8: {  	[sflag:s19] =	ssyncadd.s32 $0xFFFFF380  }
0xf9: {  	_ =	swait.ge [sflag:s19], $0xC80  }
0xfa: {  	[sflag:s19] =	ssyncset.done $0x0  }
0xfb: {  	[sflag:s19] =	ssyncadd.s32 $0xFFFFF380  }
0xfc: {  	_ =	swait.ge [sflag:s19], $0xC80  }
0xfd: {  	[sflag:s19] =	ssyncset.done $0x0  }
0xfe: {  	[sflag:s19] =	ssyncadd.s32 $0xFFFFF380  }
0xff: {  	_ =	swait.ge [sflag:s19], $0xC80  }
0x100: {  	[sflag:s19] =	ssyncset.done $0x0  }
0x101: {  	[sflag:s19] =	ssyncadd.s32 $0xFFFFF380  }
0x102: {  	_ =	swait.ge [sflag:s19], $0xC80  }
0x103: {  	[sflag:s19] =	ssyncset.done $0x0  }
0x104: {  	[sflag:s19] =	ssyncadd.s32 $0xFFFFF380  }
0x105: {  	_ =	swait.ge [sflag:s19], $0xC80  }
0x106: {  	[sflag:s19] =	ssyncset.done $0x0  }
0x107: {  	[sflag:s19] =	ssyncadd.s32 $0xFFFFF380  }
0x108: {  	_ =	swait.ge [sflag:s19], $0xC80  }
0x109: {  	[sflag:s19] =	ssyncset.done $0x0  }
0x10a: {  	s1 =	sadd.s32 @!p2 $0xA8, s1;
	s5 =	simm.s32 @!p2 $0x1C0;
	[sflag:s19] =	ssyncadd.s32 $0xFFFFF380  }
0x10b: {  	[tilespmem:s5], [sflag:$0x2] =	stream.linear.gather @!p2 [hbm4b:s1+s0], $0x1C0, $0x38;
	[tilespmem:$0xCB80] =	vst v63  }
0x10c: {  	s7 =	sadd.s32 $0x1C00, s4  }
0x10d: {  	[hbm4b:s7+s20] =	stream.strided.scatter [tilespmem:s23], [sflag:$0x5], $0xC80, s21, s20, $0x38;
	[tilespmem:$0xCB80] =	vst v63  }
0x10e: {  	s1 =	sadd.s32 $0x1F80, s4  }
0x10f: {  	[hbm4b:s1+s20] =	stream.strided.scatter [tilespmem:s24], [sflag:$0x5], $0xC80, s21, s20, $0x38;
	[tilespmem:$0xCB80] =	vst v63  }
0x110: {  	s5 =	sadd.s32 $0x2300, s4  }
0x111: {  	[hbm4b:s5+s20] =	stream.strided.scatter [tilespmem:s25], [sflag:$0x5], $0xC80, s21, s20, $0x38;
	[tilespmem:$0xCB80] =	vst v63  }
0x112: {  	s6 =	sadd.s32 $0x70, s6;
	s7 =	sadd.s32 $0x2680, s4  }
0x113: {  	[hbm4b:s7+s20] =	stream.strided.scatter [tilespmem:s26], [sflag:$0x5], $0xC80, s21, s20, $0x38;
	[tilespmem:$0xCB80] =	vst v63  }
0x114: {  	p0 =	sne.s32 s6, $0xE00;
	s1 =	sadd.s32 $0x2A00, s4  }
0x115: {  	[hbm4b:s1+s20] =	stream.strided.scatter [tilespmem:s28], [sflag:$0x5], $0xC80, s21, s20, $0x38;
	[tilespmem:$0xCB80] =	vst v63  }
.Ltmp0:
0x116: {  	_ = 	snop;
	(pc) =	sbr.rel @p0 .LBB2_2-.Ltmp0, $4  }
0x117: {  	s5 =	sadd.s32 $0x2D80, s4  }
0x118: {  	[hbm4b:s5+s20] =	stream.strided.scatter [tilespmem:s29], [sflag:$0x5], $0xC80, s21, s20, $0x38;
	[tilespmem:$0xCB80] =	vst v63  }
0x119: {  	s0 =	sadd.s32 $0x3480, s4;
	s7 =	sadd.s32 $0x3100, s4;
	s4 =	sadd.s32 $0x3800, s4  }
0x11a: {  	[hbm4b:s7+s20] =	stream.strided.scatter [tilespmem:s30], [sflag:$0x5], $0xC80, s21, s20, $0x38;
	[tilespmem:$0xCB80] =	vst v63  }
0x11b: {  	[hbm4b:s0+s20] =	stream.strided.scatter [tilespmem:s31], [sflag:$0x5], $0xC80, s21, s20, $0x38;
	[tilespmem:$0xCB80] =	vst v63  }
0x11c: {  	s6 =	simm.s32 $0x4  }
0x11d: {  	_ =	swait.ge [sflag:s6], $0x6400  }
0x11e: {  	[sflag:s6] =	ssyncset.done $0x0  }
0x11f: {  	s1 =	simm.s32 $0x5;
	[sflag:s6] =	ssyncadd.s32 $0xFFFF9C00  }
0x120: {  	_ =	swait.ge [sflag:s1], $0x6400  }
0x121: {  	s4 =	rddreg [dreg:$0x16]  }
0x122: {  	s7 =	rddreg [dreg:$0x14];
	s4 =	sadd.s32 $0x1, s4  }
0x123: {  	p0 =	sne.s32 s4, s7  }
.Ltmp1:
0x124: {  	_ = 	snop;
	(pc) =	sbr.rel @p0 .LBB2_1-.Ltmp1, $3  }
0x125: {  	_ =	sdelay $0x1  }
0x126: {  	[sflag:s1] =	ssyncset.done $0x0  }
0x127: {  	[sflag:s1] =	ssyncadd.s32 $0xFFFF9C00  }
0x128: {  	_ =	sfence.sel $0x180000  }
0x129: {  	[bflag:$0x0] =	sbarrier.arrive $0xFFFF  }
0x12a: {  	_ =	strace $0x90000047  }
0x12b: {  	s0 =	stileid.u32;
	[bflag:$0x2] =	sbarrier.arrive $0xFFFF  }
0x12c: {  	p0 =	sne.s32 s0, $0x0;
	s0 =	rddreg [dreg:$0x2]  }
0x12d: {  	s0 =	sadd.s32 @!p0 $0x100000, s0  }
0x12e: {  	[sflag:s0] =	ssyncadd.tile.s32 @!p0 $0x1;
	_ =	shalt  }
.Lfunc_end2:
_tile_overlayer_lowered:
.L_overlay_start_2:
0x12f: {  	(tag) =	ssettag $0x2  }
0x130: {  	s0 =	rddreg [dreg:$0x0];
	s2 =	stileid.u32  }
0x131: {  	s1 =	rddreg [dreg:$0x1];
	p0 =	sne.s32 s2, $0x0  }
0x132: {  	s3 =	rddreg [dreg:$0x2];
	[bflag:$0x3] =	sbarrier.arrive $0xFFFF;
	s2 =	simm.s32 @!p0 $0x1C06  }
0x133: {  	[timem:s3], [sflag:s2] =	dma.local @!p0 [hbm:s0], s1  }
0x134: {  	s0 =	simm.s32 @!p0 $0x6  }
0x135: {  	_ =	swait.ge @!p0 [sflag:s0], s1  }
0x136: {  	s1 =	ssub.s32 @!p0 $0x0, s1;
	[sflag:s0] =	ssyncset.done @!p0 $0x0  }
0x137: {  	[sflag:s0] =	ssyncadd.s32 @!p0 s1  }
0x138: {  	[bflag:$0x3] =	sbarrier.arrive $0xFFFF  }
0x139: {  	_ =	shalt  }

// kernel: sparse-core-data-format-call.cloned.1.call-start
scs
called_computation_lowered:
.L_overlay_start_0:
0x0: {  	s2 =	sld [smem:$0x3FD9]  }
0x1: {  	s3 =	sld [smem:$0x3FFE];
	_ =	sdelay $0x1  }
0x2: {  	s1 =	srdreg.scid  }
0x3: {  	s0 =	sand.u32 $0x1, s1  }
0x4: {  	s18 =	sshll.u32 s0, $0xA;
	s2 =	sadd.s32 s3, s2  }
0x5: {  	s2 =	sadd.s32 s2, s18  }
0x6: {  	[smem:$0x3FC6] =	sst s2  }
0x7: {  	_ = 	snop  }
0x8: {  	s2 =	sld [smem:$0x3FD0];
	(tm) =	ssettm $0x1  }
0x9: {  	s19 =	sld [smem:$0x3FFB];
	_ =	sdelay $0x3  }
0xa: {  	_ =	strace s19  }
0xb: {  	s3 =	sld [smem:$0x3FFC];
	_ =	sdelay $0x3  }
0xc: {  	_ =	strace s3  }
0xd: {  	s3 =	sld [smem:$0x3FFD];
	_ =	sdelay $0x3  }
0xe: {  	_ =	strace s3  }
0xf: {  	_ =	strace $0x8FFFFFFF  }
0x10: {  	s20 =	sld [smem:$0x3FDB];
	_ =	sdelay $0x1  }
0x11: {  	s4 =	simm.s32 $_scs_section_size  }
0x12: {  	s5 =	simm.s32 $_size__tile_overlayer_lowered;
	s6 =	simm.s32 $_tile_overlayer_lowered  }
0x13: {  	s23 =	simm.s32 $0x1BFF;
	s22 =	sshll.u32 s6, $0x1;
	s3 =	sadd.s32 s4, s20  }
0x14: {  	s7 =	simm.s32 $0x0;
	s21 =	sshll.u32 s5, $0x1;
	s5 =	sadd.s32 s22, s3  }
0x15: {  	[timem:s7], [sflag:s23] =	dma.local [hbm:s5], s21  }
0x16: {  	_ =	swait.ge [sflag:s23], s21  }
0x17: {  	s4 =	ssub.s32 $0x0, s21;
	[sflag:s23] =	ssyncset.done $0x0  }
0x18: {  	[sflag:s23] =	ssyncadd.s32 s4;
	_ =	sdelay $0x1  }
0x19: {  	s24 =	simm.s32 $0x1B8B  }
0x1a: {  	_ =	swait.ge [sflag:s24], $0x1  }
0x1b: {  	[sflag:s24] =	ssyncset.done $0x0  }
0x1c: {  	s26 =	simm.s32 $0x1B8E;
	s25 =	sld [smem:$0x3FFE];
	[sflag:s24] =	ssyncadd.s32 $0xFFFFFFFF  }
0x1d: {  	s27 =	simm.s32 $execute0_lowered;
	[smem:$0x3FD2] =	sst s26  }
0x1e: {  	s5 =	sshll.u32 s27, $0x1;
	_ =	strace $0x80000049;
	[dreg:$0x1] =	wrdreg $0xFFFFFFFF  }
0x1f: {  	s28 =	simm.s32 $_size_execute0_lowered;
	s3 =	sadd.s32 s3, s5;
	[dreg:$0x0] =	wrdreg $0x0  }
0x20: {  	s5 =	sshll.u32 s28, $0x1;
	[dreg:$0x2] =	wrdreg s3  }
0x21: {  	[dreg:$0x3] =	wrdreg s5  }
0x22: {  	[dreg:$0x4] =	wrdreg $0xC0  }
0x23: {  	_ =	task [dreg:s7], $0x5FFFF  }
0x24: {  	[dreg:$0x1] =	wrdreg $0xFFFFFFFF  }
0x25: {  	[dreg:$0x0] =	wrdreg $0x60  }
0x26: {  	[dreg:$0x2] =	wrdreg s25  }
0x27: {  	[dreg:$0x3] =	wrdreg s2  }
0x28: {  	[dreg:$0x4] =	wrdreg $0x9  }
0x29: {  	_ =	task.clear_ibuf [dreg:s7], $0x5FFFF;
	_ =	strace $0x90000049  }
0x2a: {  	s29 =	simm.s32 $0x9;
	_ =	strace $0x8000004B  }
0x2b: {  	_ =	swait.ge [sflag:s29], $0x1  }
0x2c: {  	[sflag:s29] =	ssyncadd.s32 $0xFFFFFFFF  }
0x2d: {  	_ =	strace $0x9000004B  }
0x2e: {  	_ =	sfence  }
0x2f: {  	s30 =	sld [smem:$0x0];
	_ =	sdelay $0x2  }
0x30: {  	s31 =	sshll.u32 s1, $0xD;
	s1 =	sshrl.u32 s1, $0x2  }
0x31: {  	s3 =	sand.u32 $0x4000, s31;
	s1 =	sadd.s32 s1, s30  }
0x32: {  	s0 =	sor.u32 s3, s0;
	s1 =	sshll.u32 s1, $0x11  }
0x33: {  	s0 =	sor.u32 s1, s0  }
0x34: {  	s0 =	sadd.s32 $0x8F2B, s0  }
0x35: {  	[sflag:s0] =	ssyncadd.remote.s32 $0x1  }
0x36: {  	_ =	sfence.sel $0xFFFF  }
0x37: {  	[dreg:$0x0] =	wrdreg $0xFFFFFFFF;
	(pc) =	sbr.abs _section_cstart, $3  }
0x38: {  	[dreg:$0x1] =	wrdreg $0xFFFFFFFF  }
0x39: {  	_ =	task.clear_ibuf [dreg:s7], $0x2FFFF;
	_ =	strace $0x9FFFFFFF  }
0x3a: {  	(tm) =	ssettm $0x7FFFFFFF  }
0x3b: {  	_ =	shalt  }
tec
execute0_lowered:
.L_overlay_start_1:
0x0: {  	(tag) =	ssettag $0x1  }
0x1: {  	s0 =	srdreg.scid  }
0x2: {  	s1 =	sshll.u32 s0, $0x4  }
0x3: {  	s0 =	stileid.u32;
	s1 =	sand.u32 $0x10, s1  }
0x4: {  	s1 =	sor.u32 s0, s1  }
0x5: {  	s6 =	rddreg [dreg:$0x0];
	s4 =	simm.s32 $0x1;
	s2 =	sshll.u32 s1, $0x7  }
0x6: {  	s7 =	simm.s32 $0x2;
	s12 =	simm.s32 $0x0;
	s1 =	ssub.s32 $0x4000, s2  }
0x7: {  	s8 =	simm.s32 $0x20000;
	s13 =	simm.s32 $0x0;
	s3 =	sand.u32 $0xF80, s1  }
0x8: {  	s9 =	simm.s32 $0x0;
	s5 =	sshrl.u32 s1, $0xC;
	p0 =	sne.s32 s3, $0x0  }
.Ltmp0:
0x9: {  	s1 =	rddreg [dreg:$0x2];
	s4 =	simm.s32 @!p0 $0x0;
	(pc) =	sbr.rel .LBB1_1-.Ltmp0, $4  }
0xa: {  	s11 =	simm.s32 $0x0;
	s3 =	rddreg [dreg:$0x1];
	s5 =	sadd.s32 s4, s5  }
0xb: {  	_ =	strace $0x8000004A;
	s4 =	simm.s32 $0x1;
	s5 =	smul.u32 $0x32, s5  }
0xc: {  	s6 =	sadd.s32 $0xA00, s6;
	s10 =	smov.u32 s2;
	[sflag:s4] =	ssyncpa.u1 $0x0  }
0xd: {  	p0 =	por $0x0, $0x0;
	[sflag:s7] =	ssyncpa.u1 $0x0;
	s7 =	sor.u32 $0x1, s5  }
.LBB1_4:
0xe: {  	s16 =	sshll.u32 s13, $0x3;
	s17 =	sand.u32 $0x78, s13  }
0xf: {  	s30 =	sand.u32 $0x1F800, s13;
	s12 =	sshll.u32 s12, $0x11;
	s16 =	sand.u32 $0x3C00, s16  }
0x10: {  	[tilespmem:s15+$0x810 ss:$0x81] =	vst.msk $0xffff, v2;
	s31 =	sand.u32 $0x7, s13;
	s16 =	sor.u32 s17, s16;
	s17 =	sadd.s32 s3, s30  }
0x11: {  	[tilespmem:s15+$0x1020 ss:$0x81] =	vst.msk $0xffff, v0;
	s13 =	sshll.u32 s31, $0x12;
	s12 =	sadd.s32 s12, s17;
	s16 =	sshrl.u32 s16, $0x3  }
0x12: {  	[tilespmem:s15+$0x0 ss:$0x81] =	vst.msk $0xffff, v1;
	s13 =	sor.u32 $0x400, s13;
	s12 =	sadd.s32 s16, s12  }
0x13: {  	[hbm4b:s12+s13] =	stream.strided.scatter [tilespmem:s14], [sflag:$0x2], $0x2000, s8, s13, $0x20;
	[tilespmem:$0x8080] =	vst v63  }
.LBB1_5:
0x14: {  	s14 =	sadd.s32 $0x1, s9  }
0x15: {  	s12 =	sadd.s32 $0x1000, s10;
	s16 =	smov.u32 s10;
	p2 =	sgt.s32 s14, $0x31  }
0x16: {  	s16 =	smov.u32 @p2 s12  }
0x17: {  	s14 =	simm.s32 @p2 $0x0;
	p2 =	sgt.s32 s16, $0x3FFF  }
0x18: {  	s16 =	smov.u32 @p2 s2;
	p2 =	sne.s32 s11, s7  }
.Ltmp1:
0x19: {  	p1 =	slt.u32 s11, $0x2;
	(pc) =	sbr.rel @!p2 .LBB1_6-.Ltmp1, $4  }
0x1a: {  	s15 =	simm.s32 @!p1 $0x2  }
0x1b: {  	s13 =	smov.u32 s10;
	p0 =	por !p0, !p0;
	_ =	swait.ge @!p1 [sflag:s15], $0x2000  }
0x1c: {  	s12 =	smov.u32 s9;
	[sflag:s15] =	ssyncset.done @!p1 $0x0;
	s9 =	smov.u32 s14  }
0x1d: {  	s11 =	sadd.s32 $0x1, s11;
	[sflag:s15] =	ssyncadd.s32 @!p1 $0xFFFFE000;
	s10 =	smov.u32 s16  }
.LBB1_1:
0x1e: {  	p1 =	sge.u32 s11, s5  }
0x1f: {  	s14 =	sand.u32 @!p1 $0x1FFFFFF, s9  }
0x20: {  	s15 =	smulhi.u32 @!p1 $0x4924925, s14;
	_ =	sdelay $0x1  }
0x21: {  	s15 =	smul.u32 @!p1 $0x38, s15  }
0x22: {  	s16 =	sxor.u32 @!p1 $0xFFFFFFFF, s11;
	s17 =	smul.u32 @!p1 $0x380, s10  }
0x23: {  	s31 =	sadd.s32 $0xFFFFFFFF, s11;
	s16 =	sshll.u32 @!p1 s16, $0xD;
	s14 =	ssub.s32 @!p1 s14, s15  }
0x24: {  	s15 =	sand.u32 @!p1 $0x2000, s16;
	s16 =	sadd.s32 @!p1 s6, s17;
	s14 =	sshll.u32 @!p1 s14, $0x4  }
0x25: {  	s17 =	simm.s32 @!p1 $0x1C00;
	s14 =	sadd.s32 @!p1 s14, s16;
	s16 =	simm.s32 @!p1 $0x40  }
0x26: {  	[tilespmem:s15], [sflag:$0x1] =	stream.strided.gather @!p1 [hbm4b:s14+s16], $0x2000, s17, s16, $0x38;
	[tilespmem:$0x8080] =	vst v63  }
0x27: {  	p1 =	sge.u32 s31, s5  }
.Ltmp2:
0x28: {  	_ = 	snop;
	(pc) =	sbr.rel @p1 .LBB1_5-.Ltmp2, $1  }
0x29: {  	_ =	sdelay $0x3  }
0x2a: {  	s14 =	simm.s32 $0x1  }
0x2b: {  	_ =	swait.ge [sflag:s4], $0x2000;
	s14 =	simm.s32 @!p0 $0x0  }
0x2c: {  	[sflag:s4] =	ssyncset.done $0x0;
	s15 =	sshll.u32 s14, $0xD  }
0x2d: {  	[sflag:s4] =	ssyncadd.s32 $0xFFFFE000;
	s18 =	sor.u32 $0x20, s15  }
0x2e: {  	s14 =	smul.u32 $0x8100, s14;
	v3 =	vld [tilespmem:s18+$0x10]  }
0x2f: {  	s30 =	sand.u32 $0x1, s11;
	v2 =	vld [tilespmem:s18+$0xFFFFFFF0]  }
0x30: {  	s15 =	smul.u32 $0x8100, s30;
	s14 =	sshrl.u32 s14, $0x2;
	v0 =	vld [tilespmem:s18+$0x0]  }
0x31: {  	v1 =	vld [tilespmem:s18+$0xFFFFFFE0];
	s16 =	sor.u32 $0x4000, s14  }
0x32: {  	s31 =	sshrl.u32 s15, $0x2;
	s15 =	sadd.s32 $0x0, s16  }
0x33: {  	s17 =	simm.s32 $0x4;
	s18 =	sadd.s32 $0x40, s18;
	s14 =	sor.u32 $0x4000, s31;
	[tilespmem:s15+$0x1830 ss:$0x81] =	vst.msk $0xffff, v3  }
.LBB1_3:
0x34: {  	v3 =	vld [tilespmem:s18+$0x10];
	p1 =	sne.s32 s17, $0x1FC;
	[tilespmem:s15+$0x810 ss:$0x81] =	vst.msk $0xffff, v2;
	s19 =	smov.u32 s17;
	s17 =	sadd.s32 $0x4, s17  }
.Ltmp3:
0x35: {  	v2 =	vld [tilespmem:s18+$0xFFFFFFF0];
	[tilespmem:s15+$0x1020 ss:$0x81] =	vst.msk $0xffff, v0;
	(pc) =	sbr.rel @p1 .LBB1_3-.Ltmp3, $4  }
0x36: {  	v0 =	vld [tilespmem:s18+$0x0];
	[tilespmem:s15+$0x0 ss:$0x81] =	vst.msk $0xffff, v1  }
0x37: {  	s15 =	sshra.s32 s19, $0x2;
	v1 =	vld [tilespmem:s18+$0xFFFFFFE0]  }
0x38: {  	s15 =	sadd.s32 s15, s16  }
0x39: {  	s18 =	sadd.s32 $0x40, s18;
	[tilespmem:s15+$0x1830 ss:$0x81] =	vst.msk $0xffff, v3  }
.Ltmp4:
0x3a: {  	_ = 	snop;
	(pc) =	sbr.rel .LBB1_4-.Ltmp4, $1  }
0x3b: {  	_ =	sdelay $0x3  }
.LBB1_6:
0x3c: {  	_ =	sfence.sel $0x180000  }
0x3d: {  	s2 =	simm.s32 $0x1;
	[bflag:$0x0] =	sbarrier.arrive $0xFFFF  }
0x3e: {  	s31 =	simm.s32 $0x2;
	[sflag:s2] =	ssyncpa.u1 $0x1  }
0x3f: {  	[sflag:s31] =	ssyncpa.u1 $0x1  }
0x40: {  	p0 =	sne.s32 s0, $0x0;
	_ =	strace $0x9000004A  }
0x41: {  	s0 =	sadd.s32 @!p0 $0x100000, s1;
	[bflag:$0x2] =	sbarrier.arrive $0xFFFF  }
0x42: {  	[sflag:s0] =	ssyncadd.tile.s32 @!p0 $0x1;
	_ =	shalt  }
.Lfunc_end1:
_tile_overlayer_lowered:
.L_overlay_start_2:
0x43: {  	(tag) =	ssettag $0x2  }
0x44: {  	s0 =	rddreg [dreg:$0x0];
	s2 =	stileid.u32  }
0x45: {  	s1 =	rddreg [dreg:$0x1];
	p0 =	sne.s32 s2, $0x0  }
0x46: {  	s3 =	rddreg [dreg:$0x2];
	[bflag:$0x3] =	sbarrier.arrive $0xFFFF;
	s2 =	simm.s32 @!p0 $0x1C01  }
0x47: {  	[timem:s3], [sflag:s2] =	dma.local @!p0 [hbm:s0], s1  }
0x48: {  	s0 =	simm.s32 @!p0 $0x1  }
0x49: {  	_ =	swait.ge @!p0 [sflag:s0], s1  }
0x4a: {  	s1 =	ssub.s32 @!p0 $0x0, s1;
	[sflag:s0] =	ssyncset.done @!p0 $0x0  }
0x4b: {  	[sflag:s0] =	ssyncadd.s32 @!p0 s1  }
0x4c: {  	[bflag:$0x3] =	sbarrier.arrive $0xFFFF  }
0x4d: {  	_ =	shalt  }

</sc_bundles>
